<compile_context>
chip_gen: v7x
topology: tpu7x:2x2x1
jax: 0.10.2.dev20260603
libtpu: 0.0.44.dev20260713+nightly
codegen_flags: <defaults>
</compile_context>

<pallas_src>
import functools

import jax
import jax.numpy as jnp
from jax import lax
from jax.experimental import pallas as pl
from jax.experimental.pallas import tpu as pltpu
from jax.experimental.pallas import tpu_sc as plsc

N_NODES = 50176
N_FEAT = 128
N_CLASSES = 21
N_EDGES = 99904
DPAD = 32


_M_BLK = 512


def _mm_body(x_ref, pw_ref, pb_ref, wa_ref, wb_ref, eb_ref,
             pix_ref, p_ref, q_ref):
    x = x_ref[...]
    pix_ref[...] = (jnp.dot(x, pw_ref[...], preferred_element_type=jnp.float32)
                    + pb_ref[...])
    p_ref[...] = (jnp.dot(x, wa_ref[...], preferred_element_type=jnp.float32)
                  + eb_ref[...])
    q_ref[...] = jnp.dot(x, wb_ref[...], preferred_element_type=jnp.float32)


def _mm_stage(x, pixel_W, pixel_b, wa_pad, wb_pad, eb_pad):
    grid = (N_NODES // _M_BLK,)
    return pl.pallas_call(
        _mm_body,
        grid=grid,
        in_specs=[
            pl.BlockSpec((_M_BLK, N_FEAT), lambda i: (i, 0)),
            pl.BlockSpec((N_FEAT, N_CLASSES), lambda i: (0, 0)),
            pl.BlockSpec((1, N_CLASSES), lambda i: (0, 0)),
            pl.BlockSpec((N_FEAT, DPAD), lambda i: (0, 0)),
            pl.BlockSpec((N_FEAT, DPAD), lambda i: (0, 0)),
            pl.BlockSpec((1, DPAD), lambda i: (0, 0)),
        ],
        out_specs=[
            pl.BlockSpec((_M_BLK, N_CLASSES), lambda i: (i, 0)),
            pl.BlockSpec((_M_BLK, DPAD), lambda i: (i, 0)),
            pl.BlockSpec((_M_BLK, DPAD), lambda i: (i, 0)),
        ],
        out_shape=[
            jax.ShapeDtypeStruct((N_NODES, N_CLASSES), jnp.float32),
            jax.ShapeDtypeStruct((N_NODES, DPAD), jnp.float32),
            jax.ShapeDtypeStruct((N_NODES, DPAD), jnp.float32),
        ],
    )(x, pixel_W, pixel_b, wa_pad, wb_pad, eb_pad)



_ROWS_PER_W = 3136
_CHUNK = 448


def _sc_edge_stage(p_tbl, q_tbl, src_idx, dst_idx):
    info = plsc.get_sparse_core_info()
    nc, ns = info.num_cores, info.num_subcores
    mesh = plsc.VectorSubcoreMesh(core_axis_name="c", subcore_axis_name="s")

    @functools.partial(
        pl.kernel,
        mesh=mesh,
        compiler_params=pltpu.CompilerParams(use_tc_tiling_on_sc=False),
        out_type=jax.ShapeDtypeStruct((N_EDGES, N_CLASSES), jnp.float32),
        scratch_types=[
            pltpu.VMEM((_CHUNK,), jnp.int32),
            pltpu.VMEM((_CHUNK,), jnp.int32),
            pltpu.VMEM((_CHUNK, DPAD), jnp.float32),
            pltpu.VMEM((_CHUNK, DPAD), jnp.float32),
            pltpu.VMEM((_CHUNK, N_CLASSES), jnp.float32),
            pltpu.SemaphoreType.DMA,
            pltpu.SemaphoreType.DMA,
        ],
    )
    def sc_kernel(p_hbm, q_hbm, src_hbm, dst_hbm, out_hbm,
                  idx_s, idx_d, buf_p, buf_q, buf_o, sem_p, sem_q):
        wid = lax.axis_index("s") * nc + lax.axis_index("c")
        base = wid * _ROWS_PER_W
        for i in range(_ROWS_PER_W // _CHUNK):
            row = base + i * _CHUNK

            @pl.when(row < N_EDGES)
            def _():
                pltpu.sync_copy(src_hbm.at[pl.ds(row, _CHUNK)], idx_s)
                pltpu.sync_copy(dst_hbm.at[pl.ds(row, _CHUNK)], idx_d)
                cp_p = pltpu.async_copy(p_hbm.at[idx_s], buf_p, sem_p)
                cp_q = pltpu.async_copy(q_hbm.at[idx_d], buf_q, sem_q)
                cp_p.wait()
                cp_q.wait()

                def add_row(r, carry):
                    buf_o[r, pl.ds(0, 16)] = buf_p[r, pl.ds(0, 16)] + buf_q[r, pl.ds(0, 16)]
                    buf_o[r, pl.ds(5, 16)] = buf_p[r, pl.ds(5, 16)] + buf_q[r, pl.ds(5, 16)]
                    return carry

                lax.fori_loop(0, _CHUNK, add_row, 0)
                pltpu.sync_copy(buf_o, out_hbm.at[pl.ds(row, _CHUNK), :])

    return sc_kernel(p_tbl, q_tbl, src_idx, dst_idx)


def kernel(image, pixel_W, pixel_b, edge_W, edge_b, edges):
    x = image.reshape(-1, N_FEAT)
    wa = edge_W[:N_FEAT]
    wb = edge_W[N_FEAT:]
    wa_pad = jnp.zeros((N_FEAT, DPAD), jnp.float32).at[:, :N_CLASSES].set(wa)
    wb_pad = jnp.zeros((N_FEAT, DPAD), jnp.float32).at[:, :N_CLASSES].set(wb)
    eb_pad = jnp.zeros((1, DPAD), jnp.float32).at[0, :N_CLASSES].set(edge_b)
    pb = pixel_b.reshape(1, N_CLASSES)

    pixel_pots, p_tbl, q_tbl = _mm_stage(x, pixel_W, pb, wa_pad, wb_pad, eb_pad)

    src_idx = edges[:, 0].astype(jnp.int32)
    dst_idx = edges[:, 1].astype(jnp.int32)
    edge_pots = _sc_edge_stage(p_tbl, q_tbl, src_idx, dst_idx)
    return (pixel_pots, edge_pots)

# --- scband reference (transcript-rebuilt; emitter-appended) ---
"""Pipeline reference for scband-struct-svm-32272384262809 (READ-ONLY COPY).

The authoritative reference and input builder live on the scoring server;
editing this copy changes nothing except your own understanding.
"""

import jax, jax.numpy as jnp
import numpy as np

W = 224
H = 224
N_FEAT = 128
N_CLASSES = 21


def _generate_edges(w, h):
    idx = np.arange(w * h).reshape(w, h)
    edges = []
    for i in range(w):
        for j in range(h):
            u = idx[i, j]
            if i + 1 < w:
                edges.append((u, idx[i + 1, j]))
            if j + 1 < h:
                edges.append((u, idx[i, j + 1]))
    return np.asarray(edges, dtype=np.int64)


def setup_inputs(seed: int = 0) -> dict:
    key = jax.random.key(seed)
    k1, k2, k3, k4, k5 = jax.random.split(key, 5)
    image = jax.random.normal(k1, (W * H, N_FEAT), dtype=jnp.float32)
    # nn.Linear(n_feat, n_classes): weight [n_classes, n_feat], stored transposed here
    pixel_W = jax.random.normal(k2, (N_FEAT, N_CLASSES), dtype=jnp.float32) * 0.05
    pixel_b = jax.random.normal(k3, (N_CLASSES,), dtype=jnp.float32) * 0.05
    edge_W = jax.random.normal(k4, (2 * N_FEAT, N_CLASSES), dtype=jnp.float32) * 0.05
    edge_b = jax.random.normal(k5, (N_CLASSES,), dtype=jnp.float32) * 0.05
    edges = jnp.asarray(_generate_edges(W, H))
    return {"image": image, "pixel_W": pixel_W, "pixel_b": pixel_b,
            "edge_W": edge_W, "edge_b": edge_b, "edges": edges}


def reference(image, pixel_W, pixel_b, edge_W, edge_b, edges):
    x = image.reshape(-1, N_FEAT)
    pixel_pots = x @ pixel_W + pixel_b
    src = jnp.take(x, edges[:, 0], axis=0)
    dst = jnp.take(x, edges[:, 1], axis=0)
    edge_feats = jnp.concatenate((src, dst), axis=1)
    edge_pots = edge_feats @ edge_W + edge_b
    return (pixel_pots, edge_pots)

if __name__ == "__main__":
    import jax
    _d = setup_inputs()
    print(jax.jit(kernel)(*tuple(_d.values())))

</pallas_src>

<mosaic_0001>
#map = affine_map<(d0, d1) -> (0, 0)>
#map1 = affine_map<(d0, d1) -> (0)>
module attributes {stable_mosaic.version = 14 : i64} {
  func.func @sc_kernel(%arg0: i32, %arg1: i32, %arg2: memref<50176x32xf32, #tpu.memory_space<hbm>>, %arg3: memref<50176x32xf32, #tpu.memory_space<hbm>>, %arg4: memref<99904xi32, #tpu.memory_space<hbm>>, %arg5: memref<99904xi32, #tpu.memory_space<hbm>>, %arg6: memref<99904x21xf32, #tpu.memory_space<hbm>>, %arg7: memref<448xi32, #tpu.memory_space<vmem>>, %arg8: memref<448xi32, #tpu.memory_space<vmem>>, %arg9: memref<448x32xf32, #tpu.memory_space<vmem>>, %arg10: memref<448x32xf32, #tpu.memory_space<vmem>>, %arg11: memref<448x21xf32, #tpu.memory_space<vmem>>, %arg12: memref<!tpu.dma_semaphore, #tpu.memory_space<semaphore_mem>>, %arg13: memref<!tpu.dma_semaphore, #tpu.memory_space<semaphore_mem>>) attributes {dimension_semantics = [#tpu.dimension_semantics<core_parallel>, #tpu.dimension_semantics<subcore_parallel>], iteration_bounds = array<i64: 2, 16>, scalar_prefetch = 0 : i64, scratch_operands = 7 : i64, tpu.core_type = #tpu.core_type<sc_vector_subcore>, window_params = [{transform_indices = #map}, {transform_indices = #map}, {transform_indices = #map1}, {transform_indices = #map1}, {transform_indices = #map}]} {
    %mul3A = arith.constant 2 : i32
    %mul3A_0 = arith.muli %arg1, %mul3A : i32
    %add3A = arith.addi %mul3A_0, %arg0 : i32
    %mul3A_1 = arith.constant 3136 : i32
    %mul3A_2 = arith.muli %add3A, %mul3A_1 : i32
    %add3A_3 = arith.constant 0 : i32
    %add3A_4 = arith.addi %mul3A_2, %add3A_3 : i32
    %lt3A = arith.constant 99904 : i32
    %lt3A_5 = arith.cmpi slt, %add3A_4, %lt3A : i32
    %convert_element_type3A = arith.extui %lt3A_5 : i1 to i32
    %cond3A = arith.constant 0 : i32
    %cond3A_6 = arith.cmpi ne, %convert_element_type3A, %cond3A : i32
    scf.if %cond3A_6 {
      "tpu.region"() ({
        %run_scoped3A = tpu.sem_alloc : memref<!tpu.dma_semaphore, #tpu.memory_space<semaphore_mem>>
        %dma_start3A_64 = tpu.memref_slice %arg4[%add3A_4] : memref<99904xi32, #tpu.memory_space<hbm>> -> memref<448xi32, #tpu.memory_space<hbm>>
        %dma_start3A_65 = tpu.memref_slice %arg4[%add3A_4] : memref<99904xi32, #tpu.memory_space<hbm>> -> memref<448xi32, #tpu.memory_space<hbm>>
        tpu.enqueue_dma source(%dma_start3A_65 : memref<448xi32, #tpu.memory_space<hbm>>) target(%arg7 : memref<448xi32, #tpu.memory_space<vmem>>) target_semaphore(%run_scoped3A : memref<!tpu.dma_semaphore, #tpu.memory_space<semaphore_mem>>)
        %dma_wait3A_66 = tpu.memref_slice %arg4[%add3A_4] : memref<99904xi32, #tpu.memory_space<hbm>> -> memref<448xi32, #tpu.memory_space<hbm>>
        %dma_wait3A_67 = tpu.memref_slice %arg4[%add3A_4] : memref<99904xi32, #tpu.memory_space<hbm>> -> memref<448xi32, #tpu.memory_space<hbm>>
        tpu.wait_dma2 semaphore(%run_scoped3A : memref<!tpu.dma_semaphore, #tpu.memory_space<semaphore_mem>>) src(%dma_wait3A_67 : memref<448xi32, #tpu.memory_space<hbm>>) dst(%arg7 : memref<448xi32, #tpu.memory_space<vmem>>)
        tpu.yield
      }) : () -> ()
      "tpu.region"() ({
        %run_scoped3A = tpu.sem_alloc : memref<!tpu.dma_semaphore, #tpu.memory_space<semaphore_mem>>
        %dma_start3A_64 = tpu.memref_slice %arg5[%add3A_4] : memref<99904xi32, #tpu.memory_space<hbm>> -> memref<448xi32, #tpu.memory_space<hbm>>
        %dma_start3A_65 = tpu.memref_slice %arg5[%add3A_4] : memref<99904xi32, #tpu.memory_space<hbm>> -> memref<448xi32, #tpu.memory_space<hbm>>
        tpu.enqueue_dma source(%dma_start3A_65 : memref<448xi32, #tpu.memory_space<hbm>>) target(%arg8 : memref<448xi32, #tpu.memory_space<vmem>>) target_semaphore(%run_scoped3A : memref<!tpu.dma_semaphore, #tpu.memory_space<semaphore_mem>>)
        %dma_wait3A_66 = tpu.memref_slice %arg5[%add3A_4] : memref<99904xi32, #tpu.memory_space<hbm>> -> memref<448xi32, #tpu.memory_space<hbm>>
        %dma_wait3A_67 = tpu.memref_slice %arg5[%add3A_4] : memref<99904xi32, #tpu.memory_space<hbm>> -> memref<448xi32, #tpu.memory_space<hbm>>
        tpu.wait_dma2 semaphore(%run_scoped3A : memref<!tpu.dma_semaphore, #tpu.memory_space<semaphore_mem>>) src(%dma_wait3A_67 : memref<448xi32, #tpu.memory_space<hbm>>) dst(%arg8 : memref<448xi32, #tpu.memory_space<vmem>>)
        tpu.yield
      }) : () -> ()
      %dma_start3A = arith.constant 0 : i32
      %dma_start3A_49 = arith.constant 0 : i32
      %dma_start3A_50 = tpu.memref_slice %arg2[%dma_start3A, %dma_start3A_49] : memref<50176x32xf32, #tpu.memory_space<hbm>> -> memref<50176x32xf32, #tpu.memory_space<hbm>>
      tpu.enqueue_indirect_dma source(%dma_start3A_50 : memref<50176x32xf32, #tpu.memory_space<hbm>>) target(%arg9 : memref<448x32xf32, #tpu.memory_space<vmem>>) offsets(%arg7 : memref<448xi32, #tpu.memory_space<vmem>>) semaphore(%arg12 : memref<!tpu.dma_semaphore, #tpu.memory_space<semaphore_mem>>)
      %dma_start3A_51 = arith.constant 0 : i32
      %dma_start3A_52 = arith.constant 0 : i32
      %dma_start3A_53 = tpu.memref_slice %arg3[%dma_start3A_51, %dma_start3A_52] : memref<50176x32xf32, #tpu.memory_space<hbm>> -> memref<50176x32xf32, #tpu.memory_space<hbm>>
      tpu.enqueue_indirect_dma source(%dma_start3A_53 : memref<50176x32xf32, #tpu.memory_space<hbm>>) target(%arg10 : memref<448x32xf32, #tpu.memory_space<vmem>>) offsets(%arg8 : memref<448xi32, #tpu.memory_space<vmem>>) semaphore(%arg13 : memref<!tpu.dma_semaphore, #tpu.memory_space<semaphore_mem>>)
      %dma_wait3A = arith.constant 0 : i32
      %dma_wait3A_54 = arith.constant 0 : i32
      %dma_wait3A_55 = tpu.memref_slice %arg2[%dma_wait3A, %dma_wait3A_54] : memref<50176x32xf32, #tpu.memory_space<hbm>> -> memref<50176x32xf32, #tpu.memory_space<hbm>>
      tpu.wait_indirect_dma semaphore(%arg12 : memref<!tpu.dma_semaphore, #tpu.memory_space<semaphore_mem>>) src(%dma_wait3A_55 : memref<50176x32xf32, #tpu.memory_space<hbm>>) dst(%arg9 : memref<448x32xf32, #tpu.memory_space<vmem>>)
      %dma_wait3A_56 = arith.constant 0 : i32
      %dma_wait3A_57 = arith.constant 0 : i32
      %dma_wait3A_58 = tpu.memref_slice %arg3[%dma_wait3A_56, %dma_wait3A_57] : memref<50176x32xf32, #tpu.memory_space<hbm>> -> memref<50176x32xf32, #tpu.memory_space<hbm>>
      tpu.wait_indirect_dma semaphore(%arg13 : memref<!tpu.dma_semaphore, #tpu.memory_space<semaphore_mem>>) src(%dma_wait3A_58 : memref<50176x32xf32, #tpu.memory_space<hbm>>) dst(%arg10 : memref<448x32xf32, #tpu.memory_space<vmem>>)
      %scan3A = arith.constant 0 : i32
      %scan3A_59 = arith.constant 0 : i32
      %scan3A_60 = arith.constant 448 : i32
      %scan3A_61 = arith.addi %scan3A_59, %scan3A_60 : i32
      %scan3A_62 = arith.constant 1 : i32
      scf.for %scan3A_64 = %scan3A_59 to %scan3A_61 step %scan3A_62  : i32 {
        %get3A = arith.index_cast %scan3A_64 : i32 to index
        %get3A_65 = arith.constant 0 : index
        %get3A_66 = tpu.vector_load %arg9[%get3A, %get3A_65] {strides = array<i32>} : memref<448x32xf32, #tpu.memory_space<vmem>>, vector<1x16xf32>,
        %get3A_67 = vector.shape_cast %get3A_66 : vector<1x16xf32> to vector<16xf32>
        %get3A_68 = arith.index_cast %scan3A_64 : i32 to index
        %get3A_69 = arith.constant 0 : index
        %get3A_70 = tpu.vector_load %arg10[%get3A_68, %get3A_69] {strides = array<i32>} : memref<448x32xf32, #tpu.memory_space<vmem>>, vector<1x16xf32>,
        %get3A_71 = vector.shape_cast %get3A_70 : vector<1x16xf32> to vector<16xf32>
        %add3A_72 = arith.addf %get3A_67, %get3A_71 : vector<16xf32>
        %swap3A = arith.index_cast %scan3A_64 : i32 to index
        %swap3A_73 = arith.constant 0 : index
        %swap3A_74 = tpu.vector_load %arg11[%swap3A, %swap3A_73] {strides = array<i32>} : memref<448x21xf32, #tpu.memory_space<vmem>>, vector<1x16xf32>,
        %swap3A_75 = vector.shape_cast %swap3A_74 : vector<1x16xf32> to vector<16xf32>
        %swap3A_76 = vector.shape_cast %add3A_72 : vector<16xf32> to vector<1x16xf32>
        tpu.vector_store %arg11[%swap3A, %swap3A_73], %swap3A_76 {strides = array<i32>} : memref<448x21xf32, #tpu.memory_space<vmem>>, vector<1x16xf32>,
        %get3A_77 = arith.index_cast %scan3A_64 : i32 to index
        %get3A_78 = arith.constant 5 : index
        %get3A_79 = tpu.vector_load %arg9[%get3A_77, %get3A_78] {strides = array<i32>} : memref<448x32xf32, #tpu.memory_space<vmem>>, vector<1x16xf32>,
        %get3A_80 = vector.shape_cast %get3A_79 : vector<1x16xf32> to vector<16xf32>
        %get3A_81 = arith.index_cast %scan3A_64 : i32 to index
        %get3A_82 = arith.constant 5 : index
        %get3A_83 = tpu.vector_load %arg10[%get3A_81, %get3A_82] {strides = array<i32>} : memref<448x32xf32, #tpu.memory_space<vmem>>, vector<1x16xf32>,
        %get3A_84 = vector.shape_cast %get3A_83 : vector<1x16xf32> to vector<16xf32>
        %add3A_85 = arith.addf %get3A_80, %get3A_84 : vector<16xf32>
        %swap3A_86 = arith.index_cast %scan3A_64 : i32 to index
        %swap3A_87 = arith.constant 5 : index
        %swap3A_88 = tpu.vector_load %arg11[%swap3A_86, %swap3A_87] {strides = array<i32>} : memref<448x21xf32, #tpu.memory_space<vmem>>, vector<1x16xf32>,
        %swap3A_89 = vector.shape_cast %swap3A_88 : vector<1x16xf32> to vector<16xf32>
        %swap3A_90 = vector.shape_cast %add3A_85 : vector<16xf32> to vector<1x16xf32>
        tpu.vector_store %arg11[%swap3A_86, %swap3A_87], %swap3A_90 {strides = array<i32>} : memref<448x21xf32, #tpu.memory_space<vmem>>, vector<1x16xf32>,
      }
      %scan3A_63 = arith.constant 448 : i32
      "tpu.region"() ({
        %run_scoped3A = tpu.sem_alloc : memref<!tpu.dma_semaphore, #tpu.memory_space<semaphore_mem>>
        %dma_start3A_64 = arith.constant 0 : i32
        %dma_start3A_65 = tpu.memref_slice %arg6[%add3A_4, %dma_start3A_64] : memref<99904x21xf32, #tpu.memory_space<hbm>> -> memref<448x21xf32, #tpu.memory_space<hbm>>
        %dma_start3A_66 = arith.constant 0 : i32
        %dma_start3A_67 = tpu.memref_slice %arg6[%add3A_4, %dma_start3A_66] : memref<99904x21xf32, #tpu.memory_space<hbm>> -> memref<448x21xf32, #tpu.memory_space<hbm>>
        tpu.enqueue_dma source(%arg11 : memref<448x21xf32, #tpu.memory_space<vmem>>) target(%dma_start3A_67 : memref<448x21xf32, #tpu.memory_space<hbm>>) target_semaphore(%run_scoped3A : memref<!tpu.dma_semaphore, #tpu.memory_space<semaphore_mem>>)
        %dma_wait3A_68 = arith.constant 0 : i32
        %dma_wait3A_69 = tpu.memref_slice %arg6[%add3A_4, %dma_wait3A_68] : memref<99904x21xf32, #tpu.memory_space<hbm>> -> memref<448x21xf32, #tpu.memory_space<hbm>>
        %dma_wait3A_70 = arith.constant 0 : i32
        %dma_wait3A_71 = tpu.memref_slice %arg6[%add3A_4, %dma_wait3A_70] : memref<99904x21xf32, #tpu.memory_space<hbm>> -> memref<448x21xf32, #tpu.memory_space<hbm>>
        tpu.wait_dma2 semaphore(%run_scoped3A : memref<!tpu.dma_semaphore, #tpu.memory_space<semaphore_mem>>) src(%arg11 : memref<448x21xf32, #tpu.memory_space<vmem>>) dst(%dma_wait3A_71 : memref<448x21xf32, #tpu.memory_space<hbm>>)
        tpu.yield
      }) : () -> ()
    } else {
    }
    %add3A_7 = arith.constant 448 : i32
    %add3A_8 = arith.addi %mul3A_2, %add3A_7 : i32
    %lt3A_9 = arith.constant 99904 : i32
    %lt3A_10 = arith.cmpi slt, %add3A_8, %lt3A_9 : i32
    %convert_element_type3A_11 = arith.extui %lt3A_10 : i1 to i32
    %cond3A_12 = arith.constant 0 : i32
    %cond3A_13 = arith.cmpi ne, %convert_element_type3A_11, %cond3A_12 : i32
    scf.if %cond3A_13 {
      "tpu.region"() ({
        %run_scoped3A = tpu.sem_alloc : memref<!tpu.dma_semaphore, #tpu.memory_space<semaphore_mem>>
        %dma_start3A_64 = tpu.memref_slice %arg4[%add3A_8] : memref<99904xi32, #tpu.memory_space<hbm>> -> memref<448xi32, #tpu.memory_space<hbm>>
        %dma_start3A_65 = tpu.memref_slice %arg4[%add3A_8] : memref<99904xi32, #tpu.memory_space<hbm>> -> memref<448xi32, #tpu.memory_space<hbm>>
        tpu.enqueue_dma source(%dma_start3A_65 : memref<448xi32, #tpu.memory_space<hbm>>) target(%arg7 : memref<448xi32, #tpu.memory_space<vmem>>) target_semaphore(%run_scoped3A : memref<!tpu.dma_semaphore, #tpu.memory_space<semaphore_mem>>)
        %dma_wait3A_66 = tpu.memref_slice %arg4[%add3A_8] : memref<99904xi32, #tpu.memory_space<hbm>> -> memref<448xi32, #tpu.memory_space<hbm>>
        %dma_wait3A_67 = tpu.memref_slice %arg4[%add3A_8] : memref<99904xi32, #tpu.memory_space<hbm>> -> memref<448xi32, #tpu.memory_space<hbm>>
        tpu.wait_dma2 semaphore(%run_scoped3A : memref<!tpu.dma_semaphore, #tpu.memory_space<semaphore_mem>>) src(%dma_wait3A_67 : memref<448xi32, #tpu.memory_space<hbm>>) dst(%arg7 : memref<448xi32, #tpu.memory_space<vmem>>)
        tpu.yield
      }) : () -> ()
      "tpu.region"() ({
        %run_scoped3A = tpu.sem_alloc : memref<!tpu.dma_semaphore, #tpu.memory_space<semaphore_mem>>
        %dma_start3A_64 = tpu.memref_slice %arg5[%add3A_8] : memref<99904xi32, #tpu.memory_space<hbm>> -> memref<448xi32, #tpu.memory_space<hbm>>
        %dma_start3A_65 = tpu.memref_slice %arg5[%add3A_8] : memref<99904xi32, #tpu.memory_space<hbm>> -> memref<448xi32, #tpu.memory_space<hbm>>
        tpu.enqueue_dma source(%dma_start3A_65 : memref<448xi32, #tpu.memory_space<hbm>>) target(%arg8 : memref<448xi32, #tpu.memory_space<vmem>>) target_semaphore(%run_scoped3A : memref<!tpu.dma_semaphore, #tpu.memory_space<semaphore_mem>>)
        %dma_wait3A_66 = tpu.memref_slice %arg5[%add3A_8] : memref<99904xi32, #tpu.memory_space<hbm>> -> memref<448xi32, #tpu.memory_space<hbm>>
        %dma_wait3A_67 = tpu.memref_slice %arg5[%add3A_8] : memref<99904xi32, #tpu.memory_space<hbm>> -> memref<448xi32, #tpu.memory_space<hbm>>
        tpu.wait_dma2 semaphore(%run_scoped3A : memref<!tpu.dma_semaphore, #tpu.memory_space<semaphore_mem>>) src(%dma_wait3A_67 : memref<448xi32, #tpu.memory_space<hbm>>) dst(%arg8 : memref<448xi32, #tpu.memory_space<vmem>>)
        tpu.yield
      }) : () -> ()
      %dma_start3A = arith.constant 0 : i32
      %dma_start3A_49 = arith.constant 0 : i32
      %dma_start3A_50 = tpu.memref_slice %arg2[%dma_start3A, %dma_start3A_49] : memref<50176x32xf32, #tpu.memory_space<hbm>> -> memref<50176x32xf32, #tpu.memory_space<hbm>>
      tpu.enqueue_indirect_dma source(%dma_start3A_50 : memref<50176x32xf32, #tpu.memory_space<hbm>>) target(%arg9 : memref<448x32xf32, #tpu.memory_space<vmem>>) offsets(%arg7 : memref<448xi32, #tpu.memory_space<vmem>>) semaphore(%arg12 : memref<!tpu.dma_semaphore, #tpu.memory_space<semaphore_mem>>)
      %dma_start3A_51 = arith.constant 0 : i32
      %dma_start3A_52 = arith.constant 0 : i32
      %dma_start3A_53 = tpu.memref_slice %arg3[%dma_start3A_51, %dma_start3A_52] : memref<50176x32xf32, #tpu.memory_space<hbm>> -> memref<50176x32xf32, #tpu.memory_space<hbm>>
      tpu.enqueue_indirect_dma source(%dma_start3A_53 : memref<50176x32xf32, #tpu.memory_space<hbm>>) target(%arg10 : memref<448x32xf32, #tpu.memory_space<vmem>>) offsets(%arg8 : memref<448xi32, #tpu.memory_space<vmem>>) semaphore(%arg13 : memref<!tpu.dma_semaphore, #tpu.memory_space<semaphore_mem>>)
      %dma_wait3A = arith.constant 0 : i32
      %dma_wait3A_54 = arith.constant 0 : i32
      %dma_wait3A_55 = tpu.memref_slice %arg2[%dma_wait3A, %dma_wait3A_54] : memref<50176x32xf32, #tpu.memory_space<hbm>> -> memref<50176x32xf32, #tpu.memory_space<hbm>>
      tpu.wait_indirect_dma semaphore(%arg12 : memref<!tpu.dma_semaphore, #tpu.memory_space<semaphore_mem>>) src(%dma_wait3A_55 : memref<50176x32xf32, #tpu.memory_space<hbm>>) dst(%arg9 : memref<448x32xf32, #tpu.memory_space<vmem>>)
      %dma_wait3A_56 = arith.constant 0 : i32
      %dma_wait3A_57 = arith.constant 0 : i32
      %dma_wait3A_58 = tpu.memref_slice %arg3[%dma_wait3A_56, %dma_wait3A_57] : memref<50176x32xf32, #tpu.memory_space<hbm>> -> memref<50176x32xf32, #tpu.memory_space<hbm>>
      tpu.wait_indirect_dma semaphore(%arg13 : memref<!tpu.dma_semaphore, #tpu.memory_space<semaphore_mem>>) src(%dma_wait3A_58 : memref<50176x32xf32, #tpu.memory_space<hbm>>) dst(%arg10 : memref<448x32xf32, #tpu.memory_space<vmem>>)
      %scan3A = arith.constant 0 : i32
      %scan3A_59 = arith.constant 0 : i32
      %scan3A_60 = arith.constant 448 : i32
      %scan3A_61 = arith.addi %scan3A_59, %scan3A_60 : i32
      %scan3A_62 = arith.constant 1 : i32
      scf.for %scan3A_64 = %scan3A_59 to %scan3A_61 step %scan3A_62  : i32 {
        %get3A = arith.index_cast %scan3A_64 : i32 to index
        %get3A_65 = arith.constant 0 : index
        %get3A_66 = tpu.vector_load %arg9[%get3A, %get3A_65] {strides = array<i32>} : memref<448x32xf32, #tpu.memory_space<vmem>>, vector<1x16xf32>,
        %get3A_67 = vector.shape_cast %get3A_66 : vector<1x16xf32> to vector<16xf32>
        %get3A_68 = arith.index_cast %scan3A_64 : i32 to index
        %get3A_69 = arith.constant 0 : index
        %get3A_70 = tpu.vector_load %arg10[%get3A_68, %get3A_69] {strides = array<i32>} : memref<448x32xf32, #tpu.memory_space<vmem>>, vector<1x16xf32>,
        %get3A_71 = vector.shape_cast %get3A_70 : vector<1x16xf32> to vector<16xf32>
        %add3A_72 = arith.addf %get3A_67, %get3A_71 : vector<16xf32>
        %swap3A = arith.index_cast %scan3A_64 : i32 to index
        %swap3A_73 = arith.constant 0 : index
        %swap3A_74 = tpu.vector_load %arg11[%swap3A, %swap3A_73] {strides = array<i32>} : memref<448x21xf32, #tpu.memory_space<vmem>>, vector<1x16xf32>,
        %swap3A_75 = vector.shape_cast %swap3A_74 : vector<1x16xf32> to vector<16xf32>
        %swap3A_76 = vector.shape_cast %add3A_72 : vector<16xf32> to vector<1x16xf32>
        tpu.vector_store %arg11[%swap3A, %swap3A_73], %swap3A_76 {strides = array<i32>} : memref<448x21xf32, #tpu.memory_space<vmem>>, vector<1x16xf32>,
        %get3A_77 = arith.index_cast %scan3A_64 : i32 to index
        %get3A_78 = arith.constant 5 : index
        %get3A_79 = tpu.vector_load %arg9[%get3A_77, %get3A_78] {strides = array<i32>} : memref<448x32xf32, #tpu.memory_space<vmem>>, vector<1x16xf32>,
        %get3A_80 = vector.shape_cast %get3A_79 : vector<1x16xf32> to vector<16xf32>
        %get3A_81 = arith.index_cast %scan3A_64 : i32 to index
        %get3A_82 = arith.constant 5 : index
        %get3A_83 = tpu.vector_load %arg10[%get3A_81, %get3A_82] {strides = array<i32>} : memref<448x32xf32, #tpu.memory_space<vmem>>, vector<1x16xf32>,
        %get3A_84 = vector.shape_cast %get3A_83 : vector<1x16xf32> to vector<16xf32>
        %add3A_85 = arith.addf %get3A_80, %get3A_84 : vector<16xf32>
        %swap3A_86 = arith.index_cast %scan3A_64 : i32 to index
        %swap3A_87 = arith.constant 5 : index
        %swap3A_88 = tpu.vector_load %arg11[%swap3A_86, %swap3A_87] {strides = array<i32>} : memref<448x21xf32, #tpu.memory_space<vmem>>, vector<1x16xf32>,
        %swap3A_89 = vector.shape_cast %swap3A_88 : vector<1x16xf32> to vector<16xf32>
        %swap3A_90 = vector.shape_cast %add3A_85 : vector<16xf32> to vector<1x16xf32>
        tpu.vector_store %arg11[%swap3A_86, %swap3A_87], %swap3A_90 {strides = array<i32>} : memref<448x21xf32, #tpu.memory_space<vmem>>, vector<1x16xf32>,
      }
      %scan3A_63 = arith.constant 448 : i32
      "tpu.region"() ({
        %run_scoped3A = tpu.sem_alloc : memref<!tpu.dma_semaphore, #tpu.memory_space<semaphore_mem>>
        %dma_start3A_64 = arith.constant 0 : i32
        %dma_start3A_65 = tpu.memref_slice %arg6[%add3A_8, %dma_start3A_64] : memref<99904x21xf32, #tpu.memory_space<hbm>> -> memref<448x21xf32, #tpu.memory_space<hbm>>
        %dma_start3A_66 = arith.constant 0 : i32
        %dma_start3A_67 = tpu.memref_slice %arg6[%add3A_8, %dma_start3A_66] : memref<99904x21xf32, #tpu.memory_space<hbm>> -> memref<448x21xf32, #tpu.memory_space<hbm>>
        tpu.enqueue_dma source(%arg11 : memref<448x21xf32, #tpu.memory_space<vmem>>) target(%dma_start3A_67 : memref<448x21xf32, #tpu.memory_space<hbm>>) target_semaphore(%run_scoped3A : memref<!tpu.dma_semaphore, #tpu.memory_space<semaphore_mem>>)
        %dma_wait3A_68 = arith.constant 0 : i32
        %dma_wait3A_69 = tpu.memref_slice %arg6[%add3A_8, %dma_wait3A_68] : memref<99904x21xf32, #tpu.memory_space<hbm>> -> memref<448x21xf32, #tpu.memory_space<hbm>>
        %dma_wait3A_70 = arith.constant 0 : i32
        %dma_wait3A_71 = tpu.memref_slice %arg6[%add3A_8, %dma_wait3A_70] : memref<99904x21xf32, #tpu.memory_space<hbm>> -> memref<448x21xf32, #tpu.memory_space<hbm>>
        tpu.wait_dma2 semaphore(%run_scoped3A : memref<!tpu.dma_semaphore, #tpu.memory_space<semaphore_mem>>) src(%arg11 : memref<448x21xf32, #tpu.memory_space<vmem>>) dst(%dma_wait3A_71 : memref<448x21xf32, #tpu.memory_space<hbm>>)
        tpu.yield
      }) : () -> ()
    } else {
    }
    %add3A_14 = arith.constant 896 : i32
    %add3A_15 = arith.addi %mul3A_2, %add3A_14 : i32
    %lt3A_16 = arith.constant 99904 : i32
    %lt3A_17 = arith.cmpi slt, %add3A_15, %lt3A_16 : i32
    %convert_element_type3A_18 = arith.extui %lt3A_17 : i1 to i32
    %cond3A_19 = arith.constant 0 : i32
    %cond3A_20 = arith.cmpi ne, %convert_element_type3A_18, %cond3A_19 : i32
    scf.if %cond3A_20 {
      "tpu.region"() ({
        %run_scoped3A = tpu.sem_alloc : memref<!tpu.dma_semaphore, #tpu.memory_space<semaphore_mem>>
        %dma_start3A_64 = tpu.memref_slice %arg4[%add3A_15] : memref<99904xi32, #tpu.memory_space<hbm>> -> memref<448xi32, #tpu.memory_space<hbm>>
        %dma_start3A_65 = tpu.memref_slice %arg4[%add3A_15] : memref<99904xi32, #tpu.memory_space<hbm>> -> memref<448xi32, #tpu.memory_space<hbm>>
        tpu.enqueue_dma source(%dma_start3A_65 : memref<448xi32, #tpu.memory_space<hbm>>) target(%arg7 : memref<448xi32, #tpu.memory_space<vmem>>) target_semaphore(%run_scoped3A : memref<!tpu.dma_semaphore, #tpu.memory_space<semaphore_mem>>)
        %dma_wait3A_66 = tpu.memref_slice %arg4[%add3A_15] : memref<99904xi32, #tpu.memory_space<hbm>> -> memref<448xi32, #tpu.memory_space<hbm>>
        %dma_wait3A_67 = tpu.memref_slice %arg4[%add3A_15] : memref<99904xi32, #tpu.memory_space<hbm>> -> memref<448xi32, #tpu.memory_space<hbm>>
        tpu.wait_dma2 semaphore(%run_scoped3A : memref<!tpu.dma_semaphore, #tpu.memory_space<semaphore_mem>>) src(%dma_wait3A_67 : memref<448xi32, #tpu.memory_space<hbm>>) dst(%arg7 : memref<448xi32, #tpu.memory_space<vmem>>)
        tpu.yield
      }) : () -> ()
      "tpu.region"() ({
        %run_scoped3A = tpu.sem_alloc : memref<!tpu.dma_semaphore, #tpu.memory_space<semaphore_mem>>
        %dma_start3A_64 = tpu.memref_slice %arg5[%add3A_15] : memref<99904xi32, #tpu.memory_space<hbm>> -> memref<448xi32, #tpu.memory_space<hbm>>
        %dma_start3A_65 = tpu.memref_slice %arg5[%add3A_15] : memref<99904xi32, #tpu.memory_space<hbm>> -> memref<448xi32, #tpu.memory_space<hbm>>
        tpu.enqueue_dma source(%dma_start3A_65 : memref<448xi32, #tpu.memory_space<hbm>>) target(%arg8 : memref<448xi32, #tpu.memory_space<vmem>>) target_semaphore(%run_scoped3A : memref<!tpu.dma_semaphore, #tpu.memory_space<semaphore_mem>>)
        %dma_wait3A_66 = tpu.memref_slice %arg5[%add3A_15] : memref<99904xi32, #tpu.memory_space<hbm>> -> memref<448xi32, #tpu.memory_space<hbm>>
        %dma_wait3A_67 = tpu.memref_slice %arg5[%add3A_15] : memref<99904xi32, #tpu.memory_space<hbm>> -> memref<448xi32, #tpu.memory_space<hbm>>
        tpu.wait_dma2 semaphore(%run_scoped3A : memref<!tpu.dma_semaphore, #tpu.memory_space<semaphore_mem>>) src(%dma_wait3A_67 : memref<448xi32, #tpu.memory_space<hbm>>) dst(%arg8 : memref<448xi32, #tpu.memory_space<vmem>>)
        tpu.yield
      }) : () -> ()
      %dma_start3A = arith.constant 0 : i32
      %dma_start3A_49 = arith.constant 0 : i32
      %dma_start3A_50 = tpu.memref_slice %arg2[%dma_start3A, %dma_start3A_49] : memref<50176x32xf32, #tpu.memory_space<hbm>> -> memref<50176x32xf32, #tpu.memory_space<hbm>>
      tpu.enqueue_indirect_dma source(%dma_start3A_50 : memref<50176x32xf32, #tpu.memory_space<hbm>>) target(%arg9 : memref<448x32xf32, #tpu.memory_space<vmem>>) offsets(%arg7 : memref<448xi32, #tpu.memory_space<vmem>>) semaphore(%arg12 : memref<!tpu.dma_semaphore, #tpu.memory_space<semaphore_mem>>)
      %dma_start3A_51 = arith.constant 0 : i32
      %dma_start3A_52 = arith.constant 0 : i32
      %dma_start3A_53 = tpu.memref_slice %arg3[%dma_start3A_51, %dma_start3A_52] : memref<50176x32xf32, #tpu.memory_space<hbm>> -> memref<50176x32xf32, #tpu.memory_space<hbm>>
      tpu.enqueue_indirect_dma source(%dma_start3A_53 : memref<50176x32xf32, #tpu.memory_space<hbm>>) target(%arg10 : memref<448x32xf32, #tpu.memory_space<vmem>>) offsets(%arg8 : memref<448xi32, #tpu.memory_space<vmem>>) semaphore(%arg13 : memref<!tpu.dma_semaphore, #tpu.memory_space<semaphore_mem>>)
      %dma_wait3A = arith.constant 0 : i32
      %dma_wait3A_54 = arith.constant 0 : i32
      %dma_wait3A_55 = tpu.memref_slice %arg2[%dma_wait3A, %dma_wait3A_54] : memref<50176x32xf32, #tpu.memory_space<hbm>> -> memref<50176x32xf32, #tpu.memory_space<hbm>>
      tpu.wait_indirect_dma semaphore(%arg12 : memref<!tpu.dma_semaphore, #tpu.memory_space<semaphore_mem>>) src(%dma_wait3A_55 : memref<50176x32xf32, #tpu.memory_space<hbm>>) dst(%arg9 : memref<448x32xf32, #tpu.memory_space<vmem>>)
      %dma_wait3A_56 = arith.constant 0 : i32
      %dma_wait3A_57 = arith.constant 0 : i32
      %dma_wait3A_58 = tpu.memref_slice %arg3[%dma_wait3A_56, %dma_wait3A_57] : memref<50176x32xf32, #tpu.memory_space<hbm>> -> memref<50176x32xf32, #tpu.memory_space<hbm>>
      tpu.wait_indirect_dma semaphore(%arg13 : memref<!tpu.dma_semaphore, #tpu.memory_space<semaphore_mem>>) src(%dma_wait3A_58 : memref<50176x32xf32, #tpu.memory_space<hbm>>) dst(%arg10 : memref<448x32xf32, #tpu.memory_space<vmem>>)
      %scan3A = arith.constant 0 : i32
      %scan3A_59 = arith.constant 0 : i32
      %scan3A_60 = arith.constant 448 : i32
      %scan3A_61 = arith.addi %scan3A_59, %scan3A_60 : i32
      %scan3A_62 = arith.constant 1 : i32
      scf.for %scan3A_64 = %scan3A_59 to %scan3A_61 step %scan3A_62  : i32 {
        %get3A = arith.index_cast %scan3A_64 : i32 to index
        %get3A_65 = arith.constant 0 : index
        %get3A_66 = tpu.vector_load %arg9[%get3A, %get3A_65] {strides = array<i32>} : memref<448x32xf32, #tpu.memory_space<vmem>>, vector<1x16xf32>,
        %get3A_67 = vector.shape_cast %get3A_66 : vector<1x16xf32> to vector<16xf32>
        %get3A_68 = arith.index_cast %scan3A_64 : i32 to index
        %get3A_69 = arith.constant 0 : index
        %get3A_70 = tpu.vector_load %arg10[%get3A_68, %get3A_69] {strides = array<i32>} : memref<448x32xf32, #tpu.memory_space<vmem>>, vector<1x16xf32>,
        %get3A_71 = vector.shape_cast %get3A_70 : vector<1x16xf32> to vector<16xf32>
        %add3A_72 = arith.addf %get3A_67, %get3A_71 : vector<16xf32>
        %swap3A = arith.index_cast %scan3A_64 : i32 to index
        %swap3A_73 = arith.constant 0 : index
        %swap3A_74 = tpu.vector_load %arg11[%swap3A, %swap3A_73] {strides = array<i32>} : memref<448x21xf32, #tpu.memory_space<vmem>>, vector<1x16xf32>,
        %swap3A_75 = vector.shape_cast %swap3A_74 : vector<1x16xf32> to vector<16xf32>
        %swap3A_76 = vector.shape_cast %add3A_72 : vector<16xf32> to vector<1x16xf32>
        tpu.vector_store %arg11[%swap3A, %swap3A_73], %swap3A_76 {strides = array<i32>} : memref<448x21xf32, #tpu.memory_space<vmem>>, vector<1x16xf32>,
        %get3A_77 = arith.index_cast %scan3A_64 : i32 to index
        %get3A_78 = arith.constant 5 : index
        %get3A_79 = tpu.vector_load %arg9[%get3A_77, %get3A_78] {strides = array<i32>} : memref<448x32xf32, #tpu.memory_space<vmem>>, vector<1x16xf32>,
        %get3A_80 = vector.shape_cast %get3A_79 : vector<1x16xf32> to vector<16xf32>
        %get3A_81 = arith.index_cast %scan3A_64 : i32 to index
        %get3A_82 = arith.constant 5 : index
        %get3A_83 = tpu.vector_load %arg10[%get3A_81, %get3A_82] {strides = array<i32>} : memref<448x32xf32, #tpu.memory_space<vmem>>, vector<1x16xf32>,
        %get3A_84 = vector.shape_cast %get3A_83 : vector<1x16xf32> to vector<16xf32>
        %add3A_85 = arith.addf %get3A_80, %get3A_84 : vector<16xf32>
        %swap3A_86 = arith.index_cast %scan3A_64 : i32 to index
        %swap3A_87 = arith.constant 5 : index
        %swap3A_88 = tpu.vector_load %arg11[%swap3A_86, %swap3A_87] {strides = array<i32>} : memref<448x21xf32, #tpu.memory_space<vmem>>, vector<1x16xf32>,
        %swap3A_89 = vector.shape_cast %swap3A_88 : vector<1x16xf32> to vector<16xf32>
        %swap3A_90 = vector.shape_cast %add3A_85 : vector<16xf32> to vector<1x16xf32>
        tpu.vector_store %arg11[%swap3A_86, %swap3A_87], %swap3A_90 {strides = array<i32>} : memref<448x21xf32, #tpu.memory_space<vmem>>, vector<1x16xf32>,
      }
      %scan3A_63 = arith.constant 448 : i32
      "tpu.region"() ({
        %run_scoped3A = tpu.sem_alloc : memref<!tpu.dma_semaphore, #tpu.memory_space<semaphore_mem>>
        %dma_start3A_64 = arith.constant 0 : i32
        %dma_start3A_65 = tpu.memref_slice %arg6[%add3A_15, %dma_start3A_64] : memref<99904x21xf32, #tpu.memory_space<hbm>> -> memref<448x21xf32, #tpu.memory_space<hbm>>
        %dma_start3A_66 = arith.constant 0 : i32
        %dma_start3A_67 = tpu.memref_slice %arg6[%add3A_15, %dma_start3A_66] : memref<99904x21xf32, #tpu.memory_space<hbm>> -> memref<448x21xf32, #tpu.memory_space<hbm>>
        tpu.enqueue_dma source(%arg11 : memref<448x21xf32, #tpu.memory_space<vmem>>) target(%dma_start3A_67 : memref<448x21xf32, #tpu.memory_space<hbm>>) target_semaphore(%run_scoped3A : memref<!tpu.dma_semaphore, #tpu.memory_space<semaphore_mem>>)
        %dma_wait3A_68 = arith.constant 0 : i32
        %dma_wait3A_69 = tpu.memref_slice %arg6[%add3A_15, %dma_wait3A_68] : memref<99904x21xf32, #tpu.memory_space<hbm>> -> memref<448x21xf32, #tpu.memory_space<hbm>>
        %dma_wait3A_70 = arith.constant 0 : i32
        %dma_wait3A_71 = tpu.memref_slice %arg6[%add3A_15, %dma_wait3A_70] : memref<99904x21xf32, #tpu.memory_space<hbm>> -> memref<448x21xf32, #tpu.memory_space<hbm>>
        tpu.wait_dma2 semaphore(%run_scoped3A : memref<!tpu.dma_semaphore, #tpu.memory_space<semaphore_mem>>) src(%arg11 : memref<448x21xf32, #tpu.memory_space<vmem>>) dst(%dma_wait3A_71 : memref<448x21xf32, #tpu.memory_space<hbm>>)
        tpu.yield
      }) : () -> ()
    } else {
    }
    %add3A_21 = arith.constant 1344 : i32
    %add3A_22 = arith.addi %mul3A_2, %add3A_21 : i32
    %lt3A_23 = arith.constant 99904 : i32
    %lt3A_24 = arith.cmpi slt, %add3A_22, %lt3A_23 : i32
    %convert_element_type3A_25 = arith.extui %lt3A_24 : i1 to i32
    %cond3A_26 = arith.constant 0 : i32
    %cond3A_27 = arith.cmpi ne, %convert_element_type3A_25, %cond3A_26 : i32
    scf.if %cond3A_27 {
      "tpu.region"() ({
        %run_scoped3A = tpu.sem_alloc : memref<!tpu.dma_semaphore, #tpu.memory_space<semaphore_mem>>
        %dma_start3A_64 = tpu.memref_slice %arg4[%add3A_22] : memref<99904xi32, #tpu.memory_space<hbm>> -> memref<448xi32, #tpu.memory_space<hbm>>
        %dma_start3A_65 = tpu.memref_slice %arg4[%add3A_22] : memref<99904xi32, #tpu.memory_space<hbm>> -> memref<448xi32, #tpu.memory_space<hbm>>
        tpu.enqueue_dma source(%dma_start3A_65 : memref<448xi32, #tpu.memory_space<hbm>>) target(%arg7 : memref<448xi32, #tpu.memory_space<vmem>>) target_semaphore(%run_scoped3A : memref<!tpu.dma_semaphore, #tpu.memory_space<semaphore_mem>>)
        %dma_wait3A_66 = tpu.memref_slice %arg4[%add3A_22] : memref<99904xi32, #tpu.memory_space<hbm>> -> memref<448xi32, #tpu.memory_space<hbm>>
        %dma_wait3A_67 = tpu.memref_slice %arg4[%add3A_22] : memref<99904xi32, #tpu.memory_space<hbm>> -> memref<448xi32, #tpu.memory_space<hbm>>
        tpu.wait_dma2 semaphore(%run_scoped3A : memref<!tpu.dma_semaphore, #tpu.memory_space<semaphore_mem>>) src(%dma_wait3A_67 : memref<448xi32, #tpu.memory_space<hbm>>) dst(%arg7 : memref<448xi32, #tpu.memory_space<vmem>>)
        tpu.yield
      }) : () -> ()
      "tpu.region"() ({
        %run_scoped3A = tpu.sem_alloc : memref<!tpu.dma_semaphore, #tpu.memory_space<semaphore_mem>>
        %dma_start3A_64 = tpu.memref_slice %arg5[%add3A_22] : memref<99904xi32, #tpu.memory_space<hbm>> -> memref<448xi32, #tpu.memory_space<hbm>>
        %dma_start3A_65 = tpu.memref_slice %arg5[%add3A_22] : memref<99904xi32, #tpu.memory_space<hbm>> -> memref<448xi32, #tpu.memory_space<hbm>>
        tpu.enqueue_dma source(%dma_start3A_65 : memref<448xi32, #tpu.memory_space<hbm>>) target(%arg8 : memref<448xi32, #tpu.memory_space<vmem>>) target_semaphore(%run_scoped3A : memref<!tpu.dma_semaphore, #tpu.memory_space<semaphore_mem>>)
        %dma_wait3A_66 = tpu.memref_slice %arg5[%add3A_22] : memref<99904xi32, #tpu.memory_space<hbm>> -> memref<448xi32, #tpu.memory_space<hbm>>
        %dma_wait3A_67 = tpu.memref_slice %arg5[%add3A_22] : memref<99904xi32, #tpu.memory_space<hbm>> -> memref<448xi32, #tpu.memory_space<hbm>>
        tpu.wait_dma2 semaphore(%run_scoped3A : memref<!tpu.dma_semaphore, #tpu.memory_space<semaphore_mem>>) src(%dma_wait3A_67 : memref<448xi32, #tpu.memory_space<hbm>>) dst(%arg8 : memref<448xi32, #tpu.memory_space<vmem>>)
        tpu.yield
      }) : () -> ()
      %dma_start3A = arith.constant 0 : i32
      %dma_start3A_49 = arith.constant 0 : i32
      %dma_start3A_50 = tpu.memref_slice %arg2[%dma_start3A, %dma_start3A_49] : memref<50176x32xf32, #tpu.memory_space<hbm>> -> memref<50176x32xf32, #tpu.memory_space<hbm>>
      tpu.enqueue_indirect_dma source(%dma_start3A_50 : memref<50176x32xf32, #tpu.memory_space<hbm>>) target(%arg9 : memref<448x32xf32, #tpu.memory_space<vmem>>) offsets(%arg7 : memref<448xi32, #tpu.memory_space<vmem>>) semaphore(%arg12 : memref<!tpu.dma_semaphore, #tpu.memory_space<semaphore_mem>>)
      %dma_start3A_51 = arith.constant 0 : i32
      %dma_start3A_52 = arith.constant 0 : i32
      %dma_start3A_53 = tpu.memref_slice %arg3[%dma_start3A_51, %dma_start3A_52] : memref<50176x32xf32, #tpu.memory_space<hbm>> -> memref<50176x32xf32, #tpu.memory_space<hbm>>
      tpu.enqueue_indirect_dma source(%dma_start3A_53 : memref<50176x32xf32, #tpu.memory_space<hbm>>) target(%arg10 : memref<448x32xf32, #tpu.memory_space<vmem>>) offsets(%arg8 : memref<448xi32, #tpu.memory_space<vmem>>) semaphore(%arg13 : memref<!tpu.dma_semaphore, #tpu.memory_space<semaphore_mem>>)
      %dma_wait3A = arith.constant 0 : i32
      %dma_wait3A_54 = arith.constant 0 : i32
      %dma_wait3A_55 = tpu.memref_slice %arg2[%dma_wait3A, %dma_wait3A_54] : memref<50176x32xf32, #tpu.memory_space<hbm>> -> memref<50176x32xf32, #tpu.memory_space<hbm>>
      tpu.wait_indirect_dma semaphore(%arg12 : memref<!tpu.dma_semaphore, #tpu.memory_space<semaphore_mem>>) src(%dma_wait3A_55 : memref<50176x32xf32, #tpu.memory_space<hbm>>) dst(%arg9 : memref<448x32xf32, #tpu.memory_space<vmem>>)
      %dma_wait3A_56 = arith.constant 0 : i32
      %dma_wait3A_57 = arith.constant 0 : i32
      %dma_wait3A_58 = tpu.memref_slice %arg3[%dma_wait3A_56, %dma_wait3A_57] : memref<50176x32xf32, #tpu.memory_space<hbm>> -> memref<50176x32xf32, #tpu.memory_space<hbm>>
      tpu.wait_indirect_dma semaphore(%arg13 : memref<!tpu.dma_semaphore, #tpu.memory_space<semaphore_mem>>) src(%dma_wait3A_58 : memref<50176x32xf32, #tpu.memory_space<hbm>>) dst(%arg10 : memref<448x32xf32, #tpu.memory_space<vmem>>)
      %scan3A = arith.constant 0 : i32
      %scan3A_59 = arith.constant 0 : i32
      %scan3A_60 = arith.constant 448 : i32
      %scan3A_61 = arith.addi %scan3A_59, %scan3A_60 : i32
      %scan3A_62 = arith.constant 1 : i32
      scf.for %scan3A_64 = %scan3A_59 to %scan3A_61 step %scan3A_62  : i32 {
        %get3A = arith.index_cast %scan3A_64 : i32 to index
        %get3A_65 = arith.constant 0 : index
        %get3A_66 = tpu.vector_load %arg9[%get3A, %get3A_65] {strides = array<i32>} : memref<448x32xf32, #tpu.memory_space<vmem>>, vector<1x16xf32>,
        %get3A_67 = vector.shape_cast %get3A_66 : vector<1x16xf32> to vector<16xf32>
        %get3A_68 = arith.index_cast %scan3A_64 : i32 to index
        %get3A_69 = arith.constant 0 : index
        %get3A_70 = tpu.vector_load %arg10[%get3A_68, %get3A_69] {strides = array<i32>} : memref<448x32xf32, #tpu.memory_space<vmem>>, vector<1x16xf32>,
        %get3A_71 = vector.shape_cast %get3A_70 : vector<1x16xf32> to vector<16xf32>
        %add3A_72 = arith.addf %get3A_67, %get3A_71 : vector<16xf32>
        %swap3A = arith.index_cast %scan3A_64 : i32 to index
        %swap3A_73 = arith.constant 0 : index
        %swap3A_74 = tpu.vector_load %arg11[%swap3A, %swap3A_73] {strides = array<i32>} : memref<448x21xf32, #tpu.memory_space<vmem>>, vector<1x16xf32>,
        %swap3A_75 = vector.shape_cast %swap3A_74 : vector<1x16xf32> to vector<16xf32>
        %swap3A_76 = vector.shape_cast %add3A_72 : vector<16xf32> to vector<1x16xf32>
        tpu.vector_store %arg11[%swap3A, %swap3A_73], %swap3A_76 {strides = array<i32>} : memref<448x21xf32, #tpu.memory_space<vmem>>, vector<1x16xf32>,
        %get3A_77 = arith.index_cast %scan3A_64 : i32 to index
        %get3A_78 = arith.constant 5 : index
        %get3A_79 = tpu.vector_load %arg9[%get3A_77, %get3A_78] {strides = array<i32>} : memref<448x32xf32, #tpu.memory_space<vmem>>, vector<1x16xf32>,
        %get3A_80 = vector.shape_cast %get3A_79 : vector<1x16xf32> to vector<16xf32>
        %get3A_81 = arith.index_cast %scan3A_64 : i32 to index
        %get3A_82 = arith.constant 5 : index
        %get3A_83 = tpu.vector_load %arg10[%get3A_81, %get3A_82] {strides = array<i32>} : memref<448x32xf32, #tpu.memory_space<vmem>>, vector<1x16xf32>,
        %get3A_84 = vector.shape_cast %get3A_83 : vector<1x16xf32> to vector<16xf32>
        %add3A_85 = arith.addf %get3A_80, %get3A_84 : vector<16xf32>
        %swap3A_86 = arith.index_cast %scan3A_64 : i32 to index
        %swap3A_87 = arith.constant 5 : index
        %swap3A_88 = tpu.vector_load %arg11[%swap3A_86, %swap3A_87] {strides = array<i32>} : memref<448x21xf32, #tpu.memory_space<vmem>>, vector<1x16xf32>,
        %swap3A_89 = vector.shape_cast %swap3A_88 : vector<1x16xf32> to vector<16xf32>
        %swap3A_90 = vector.shape_cast %add3A_85 : vector<16xf32> to vector<1x16xf32>
        tpu.vector_store %arg11[%swap3A_86, %swap3A_87], %swap3A_90 {strides = array<i32>} : memref<448x21xf32, #tpu.memory_space<vmem>>, vector<1x16xf32>,
      }
      %scan3A_63 = arith.constant 448 : i32
      "tpu.region"() ({
        %run_scoped3A = tpu.sem_alloc : memref<!tpu.dma_semaphore, #tpu.memory_space<semaphore_mem>>
        %dma_start3A_64 = arith.constant 0 : i32
        %dma_start3A_65 = tpu.memref_slice %arg6[%add3A_22, %dma_start3A_64] : memref<99904x21xf32, #tpu.memory_space<hbm>> -> memref<448x21xf32, #tpu.memory_space<hbm>>
        %dma_start3A_66 = arith.constant 0 : i32
        %dma_start3A_67 = tpu.memref_slice %arg6[%add3A_22, %dma_start3A_66] : memref<99904x21xf32, #tpu.memory_space<hbm>> -> memref<448x21xf32, #tpu.memory_space<hbm>>
        tpu.enqueue_dma source(%arg11 : memref<448x21xf32, #tpu.memory_space<vmem>>) target(%dma_start3A_67 : memref<448x21xf32, #tpu.memory_space<hbm>>) target_semaphore(%run_scoped3A : memref<!tpu.dma_semaphore, #tpu.memory_space<semaphore_mem>>)
        %dma_wait3A_68 = arith.constant 0 : i32
        %dma_wait3A_69 = tpu.memref_slice %arg6[%add3A_22, %dma_wait3A_68] : memref<99904x21xf32, #tpu.memory_space<hbm>> -> memref<448x21xf32, #tpu.memory_space<hbm>>
        %dma_wait3A_70 = arith.constant 0 : i32
        %dma_wait3A_71 = tpu.memref_slice %arg6[%add3A_22, %dma_wait3A_70] : memref<99904x21xf32, #tpu.memory_space<hbm>> -> memref<448x21xf32, #tpu.memory_space<hbm>>
        tpu.wait_dma2 semaphore(%run_scoped3A : memref<!tpu.dma_semaphore, #tpu.memory_space<semaphore_mem>>) src(%arg11 : memref<448x21xf32, #tpu.memory_space<vmem>>) dst(%dma_wait3A_71 : memref<448x21xf32, #tpu.memory_space<hbm>>)
        tpu.yield
      }) : () -> ()
    } else {
    }
    %add3A_28 = arith.constant 1792 : i32
    %add3A_29 = arith.addi %mul3A_2, %add3A_28 : i32
    %lt3A_30 = arith.constant 99904 : i32
    %lt3A_31 = arith.cmpi slt, %add3A_29, %lt3A_30 : i32
    %convert_element_type3A_32 = arith.extui %lt3A_31 : i1 to i32
    %cond3A_33 = arith.constant 0 : i32
    %cond3A_34 = arith.cmpi ne, %convert_element_type3A_32, %cond3A_33 : i32
    scf.if %cond3A_34 {
      "tpu.region"() ({
        %run_scoped3A = tpu.sem_alloc : memref<!tpu.dma_semaphore, #tpu.memory_space<semaphore_mem>>
        %dma_start3A_64 = tpu.memref_slice %arg4[%add3A_29] : memref<99904xi32, #tpu.memory_space<hbm>> -> memref<448xi32, #tpu.memory_space<hbm>>
        %dma_start3A_65 = tpu.memref_slice %arg4[%add3A_29] : memref<99904xi32, #tpu.memory_space<hbm>> -> memref<448xi32, #tpu.memory_space<hbm>>
        tpu.enqueue_dma source(%dma_start3A_65 : memref<448xi32, #tpu.memory_space<hbm>>) target(%arg7 : memref<448xi32, #tpu.memory_space<vmem>>) target_semaphore(%run_scoped3A : memref<!tpu.dma_semaphore, #tpu.memory_space<semaphore_mem>>)
        %dma_wait3A_66 = tpu.memref_slice %arg4[%add3A_29] : memref<99904xi32, #tpu.memory_space<hbm>> -> memref<448xi32, #tpu.memory_space<hbm>>
        %dma_wait3A_67 = tpu.memref_slice %arg4[%add3A_29] : memref<99904xi32, #tpu.memory_space<hbm>> -> memref<448xi32, #tpu.memory_space<hbm>>
        tpu.wait_dma2 semaphore(%run_scoped3A : memref<!tpu.dma_semaphore, #tpu.memory_space<semaphore_mem>>) src(%dma_wait3A_67 : memref<448xi32, #tpu.memory_space<hbm>>) dst(%arg7 : memref<448xi32, #tpu.memory_space<vmem>>)
        tpu.yield
      }) : () -> ()
      "tpu.region"() ({
        %run_scoped3A = tpu.sem_alloc : memref<!tpu.dma_semaphore, #tpu.memory_space<semaphore_mem>>
        %dma_start3A_64 = tpu.memref_slice %arg5[%add3A_29] : memref<99904xi32, #tpu.memory_space<hbm>> -> memref<448xi32, #tpu.memory_space<hbm>>
        %dma_start3A_65 = tpu.memref_slice %arg5[%add3A_29] : memref<99904xi32, #tpu.memory_space<hbm>> -> memref<448xi32, #tpu.memory_space<hbm>>
        tpu.enqueue_dma source(%dma_start3A_65 : memref<448xi32, #tpu.memory_space<hbm>>) target(%arg8 : memref<448xi32, #tpu.memory_space<vmem>>) target_semaphore(%run_scoped3A : memref<!tpu.dma_semaphore, #tpu.memory_space<semaphore_mem>>)
        %dma_wait3A_66 = tpu.memref_slice %arg5[%add3A_29] : memref<99904xi32, #tpu.memory_space<hbm>> -> memref<448xi32, #tpu.memory_space<hbm>>
        %dma_wait3A_67 = tpu.memref_slice %arg5[%add3A_29] : memref<99904xi32, #tpu.memory_space<hbm>> -> memref<448xi32, #tpu.memory_space<hbm>>
        tpu.wait_dma2 semaphore(%run_scoped3A : memref<!tpu.dma_semaphore, #tpu.memory_space<semaphore_mem>>) src(%dma_wait3A_67 : memref<448xi32, #tpu.memory_space<hbm>>) dst(%arg8 : memref<448xi32, #tpu.memory_space<vmem>>)
        tpu.yield
      }) : () -> ()
      %dma_start3A = arith.constant 0 : i32
      %dma_start3A_49 = arith.constant 0 : i32
      %dma_start3A_50 = tpu.memref_slice %arg2[%dma_start3A, %dma_start3A_49] : memref<50176x32xf32, #tpu.memory_space<hbm>> -> memref<50176x32xf32, #tpu.memory_space<hbm>>
      tpu.enqueue_indirect_dma source(%dma_start3A_50 : memref<50176x32xf32, #tpu.memory_space<hbm>>) target(%arg9 : memref<448x32xf32, #tpu.memory_space<vmem>>) offsets(%arg7 : memref<448xi32, #tpu.memory_space<vmem>>) semaphore(%arg12 : memref<!tpu.dma_semaphore, #tpu.memory_space<semaphore_mem>>)
      %dma_start3A_51 = arith.constant 0 : i32
      %dma_start3A_52 = arith.constant 0 : i32
      %dma_start3A_53 = tpu.memref_slice %arg3[%dma_start3A_51, %dma_start3A_52] : memref<50176x32xf32, #tpu.memory_space<hbm>> -> memref<50176x32xf32, #tpu.memory_space<hbm>>
      tpu.enqueue_indirect_dma source(%dma_start3A_53 : memref<50176x32xf32, #tpu.memory_space<hbm>>) target(%arg10 : memref<448x32xf32, #tpu.memory_space<vmem>>) offsets(%arg8 : memref<448xi32, #tpu.memory_space<vmem>>) semaphore(%arg13 : memref<!tpu.dma_semaphore, #tpu.memory_space<semaphore_mem>>)
      %dma_wait3A = arith.constant 0 : i32
      %dma_wait3A_54 = arith.constant 0 : i32
      %dma_wait3A_55 = tpu.memref_slice %arg2[%dma_wait3A, %dma_wait3A_54] : memref<50176x32xf32, #tpu.memory_space<hbm>> -> memref<50176x32xf32, #tpu.memory_space<hbm>>
      tpu.wait_indirect_dma semaphore(%arg12 : memref<!tpu.dma_semaphore, #tpu.memory_space<semaphore_mem>>) src(%dma_wait3A_55 : memref<50176x32xf32, #tpu.memory_space<hbm>>) dst(%arg9 : memref<448x32xf32, #tpu.memory_space<vmem>>)
      %dma_wait3A_56 = arith.constant 0 : i32
      %dma_wait3A_57 = arith.constant 0 : i32
      %dma_wait3A_58 = tpu.memref_slice %arg3[%dma_wait3A_56, %dma_wait3A_57] : memref<50176x32xf32, #tpu.memory_space<hbm>> -> memref<50176x32xf32, #tpu.memory_space<hbm>>
      tpu.wait_indirect_dma semaphore(%arg13 : memref<!tpu.dma_semaphore, #tpu.memory_space<semaphore_mem>>) src(%dma_wait3A_58 : memref<50176x32xf32, #tpu.memory_space<hbm>>) dst(%arg10 : memref<448x32xf32, #tpu.memory_space<vmem>>)
      %scan3A = arith.constant 0 : i32
      %scan3A_59 = arith.constant 0 : i32
      %scan3A_60 = arith.constant 448 : i32
      %scan3A_61 = arith.addi %scan3A_59, %scan3A_60 : i32
      %scan3A_62 = arith.constant 1 : i32
      scf.for %scan3A_64 = %scan3A_59 to %scan3A_61 step %scan3A_62  : i32 {
        %get3A = arith.index_cast %scan3A_64 : i32 to index
        %get3A_65 = arith.constant 0 : index
        %get3A_66 = tpu.vector_load %arg9[%get3A, %get3A_65] {strides = array<i32>} : memref<448x32xf32, #tpu.memory_space<vmem>>, vector<1x16xf32>,
        %get3A_67 = vector.shape_cast %get3A_66 : vector<1x16xf32> to vector<16xf32>
        %get3A_68 = arith.index_cast %scan3A_64 : i32 to index
        %get3A_69 = arith.constant 0 : index
        %get3A_70 = tpu.vector_load %arg10[%get3A_68, %get3A_69] {strides = array<i32>} : memref<448x32xf32, #tpu.memory_space<vmem>>, vector<1x16xf32>,
        %get3A_71 = vector.shape_cast %get3A_70 : vector<1x16xf32> to vector<16xf32>
        %add3A_72 = arith.addf %get3A_67, %get3A_71 : vector<16xf32>
        %swap3A = arith.index_cast %scan3A_64 : i32 to index
        %swap3A_73 = arith.constant 0 : index
        %swap3A_74 = tpu.vector_load %arg11[%swap3A, %swap3A_73] {strides = array<i32>} : memref<448x21xf32, #tpu.memory_space<vmem>>, vector<1x16xf32>,
        %swap3A_75 = vector.shape_cast %swap3A_74 : vector<1x16xf32> to vector<16xf32>
        %swap3A_76 = vector.shape_cast %add3A_72 : vector<16xf32> to vector<1x16xf32>
        tpu.vector_store %arg11[%swap3A, %swap3A_73], %swap3A_76 {strides = array<i32>} : memref<448x21xf32, #tpu.memory_space<vmem>>, vector<1x16xf32>,
        %get3A_77 = arith.index_cast %scan3A_64 : i32 to index
        %get3A_78 = arith.constant 5 : index
        %get3A_79 = tpu.vector_load %arg9[%get3A_77, %get3A_78] {strides = array<i32>} : memref<448x32xf32, #tpu.memory_space<vmem>>, vector<1x16xf32>,
        %get3A_80 = vector.shape_cast %get3A_79 : vector<1x16xf32> to vector<16xf32>
        %get3A_81 = arith.index_cast %scan3A_64 : i32 to index
        %get3A_82 = arith.constant 5 : index
        %get3A_83 = tpu.vector_load %arg10[%get3A_81, %get3A_82] {strides = array<i32>} : memref<448x32xf32, #tpu.memory_space<vmem>>, vector<1x16xf32>,
        %get3A_84 = vector.shape_cast %get3A_83 : vector<1x16xf32> to vector<16xf32>
        %add3A_85 = arith.addf %get3A_80, %get3A_84 : vector<16xf32>
        %swap3A_86 = arith.index_cast %scan3A_64 : i32 to index
        %swap3A_87 = arith.constant 5 : index
        %swap3A_88 = tpu.vector_load %arg11[%swap3A_86, %swap3A_87] {strides = array<i32>} : memref<448x21xf32, #tpu.memory_space<vmem>>, vector<1x16xf32>,
        %swap3A_89 = vector.shape_cast %swap3A_88 : vector<1x16xf32> to vector<16xf32>
        %swap3A_90 = vector.shape_cast %add3A_85 : vector<16xf32> to vector<1x16xf32>
        tpu.vector_store %arg11[%swap3A_86, %swap3A_87], %swap3A_90 {strides = array<i32>} : memref<448x21xf32, #tpu.memory_space<vmem>>, vector<1x16xf32>,
      }
      %scan3A_63 = arith.constant 448 : i32
      "tpu.region"() ({
        %run_scoped3A = tpu.sem_alloc : memref<!tpu.dma_semaphore, #tpu.memory_space<semaphore_mem>>
        %dma_start3A_64 = arith.constant 0 : i32
        %dma_start3A_65 = tpu.memref_slice %arg6[%add3A_29, %dma_start3A_64] : memref<99904x21xf32, #tpu.memory_space<hbm>> -> memref<448x21xf32, #tpu.memory_space<hbm>>
        %dma_start3A_66 = arith.constant 0 : i32
        %dma_start3A_67 = tpu.memref_slice %arg6[%add3A_29, %dma_start3A_66] : memref<99904x21xf32, #tpu.memory_space<hbm>> -> memref<448x21xf32, #tpu.memory_space<hbm>>
        tpu.enqueue_dma source(%arg11 : memref<448x21xf32, #tpu.memory_space<vmem>>) target(%dma_start3A_67 : memref<448x21xf32, #tpu.memory_space<hbm>>) target_semaphore(%run_scoped3A : memref<!tpu.dma_semaphore, #tpu.memory_space<semaphore_mem>>)
        %dma_wait3A_68 = arith.constant 0 : i32
        %dma_wait3A_69 = tpu.memref_slice %arg6[%add3A_29, %dma_wait3A_68] : memref<99904x21xf32, #tpu.memory_space<hbm>> -> memref<448x21xf32, #tpu.memory_space<hbm>>
        %dma_wait3A_70 = arith.constant 0 : i32
        %dma_wait3A_71 = tpu.memref_slice %arg6[%add3A_29, %dma_wait3A_70] : memref<99904x21xf32, #tpu.memory_space<hbm>> -> memref<448x21xf32, #tpu.memory_space<hbm>>
        tpu.wait_dma2 semaphore(%run_scoped3A : memref<!tpu.dma_semaphore, #tpu.memory_space<semaphore_mem>>) src(%arg11 : memref<448x21xf32, #tpu.memory_space<vmem>>) dst(%dma_wait3A_71 : memref<448x21xf32, #tpu.memory_space<hbm>>)
        tpu.yield
      }) : () -> ()
    } else {
    }
    %add3A_35 = arith.constant 2240 : i32
    %add3A_36 = arith.addi %mul3A_2, %add3A_35 : i32
    %lt3A_37 = arith.constant 99904 : i32
    %lt3A_38 = arith.cmpi slt, %add3A_36, %lt3A_37 : i32
    %convert_element_type3A_39 = arith.extui %lt3A_38 : i1 to i32
    %cond3A_40 = arith.constant 0 : i32
    %cond3A_41 = arith.cmpi ne, %convert_element_type3A_39, %cond3A_40 : i32
    scf.if %cond3A_41 {
      "tpu.region"() ({
        %run_scoped3A = tpu.sem_alloc : memref<!tpu.dma_semaphore, #tpu.memory_space<semaphore_mem>>
        %dma_start3A_64 = tpu.memref_slice %arg4[%add3A_36] : memref<99904xi32, #tpu.memory_space<hbm>> -> memref<448xi32, #tpu.memory_space<hbm>>
        %dma_start3A_65 = tpu.memref_slice %arg4[%add3A_36] : memref<99904xi32, #tpu.memory_space<hbm>> -> memref<448xi32, #tpu.memory_space<hbm>>
        tpu.enqueue_dma source(%dma_start3A_65 : memref<448xi32, #tpu.memory_space<hbm>>) target(%arg7 : memref<448xi32, #tpu.memory_space<vmem>>) target_semaphore(%run_scoped3A : memref<!tpu.dma_semaphore, #tpu.memory_space<semaphore_mem>>)
        %dma_wait3A_66 = tpu.memref_slice %arg4[%add3A_36] : memref<99904xi32, #tpu.memory_space<hbm>> -> memref<448xi32, #tpu.memory_space<hbm>>
        %dma_wait3A_67 = tpu.memref_slice %arg4[%add3A_36] : memref<99904xi32, #tpu.memory_space<hbm>> -> memref<448xi32, #tpu.memory_space<hbm>>
        tpu.wait_dma2 semaphore(%run_scoped3A : memref<!tpu.dma_semaphore, #tpu.memory_space<semaphore_mem>>) src(%dma_wait3A_67 : memref<448xi32, #tpu.memory_space<hbm>>) dst(%arg7 : memref<448xi32, #tpu.memory_space<vmem>>)
        tpu.yield
      }) : () -> ()
      "tpu.region"() ({
        %run_scoped3A = tpu.sem_alloc : memref<!tpu.dma_semaphore, #tpu.memory_space<semaphore_mem>>
        %dma_start3A_64 = tpu.memref_slice %arg5[%add3A_36] : memref<99904xi32, #tpu.memory_space<hbm>> -> memref<448xi32, #tpu.memory_space<hbm>>
        %dma_start3A_65 = tpu.memref_slice %arg5[%add3A_36] : memref<99904xi32, #tpu.memory_space<hbm>> -> memref<448xi32, #tpu.memory_space<hbm>>
        tpu.enqueue_dma source(%dma_start3A_65 : memref<448xi32, #tpu.memory_space<hbm>>) target(%arg8 : memref<448xi32, #tpu.memory_space<vmem>>) target_semaphore(%run_scoped3A : memref<!tpu.dma_semaphore, #tpu.memory_space<semaphore_mem>>)
        %dma_wait3A_66 = tpu.memref_slice %arg5[%add3A_36] : memref<99904xi32, #tpu.memory_space<hbm>> -> memref<448xi32, #tpu.memory_space<hbm>>
        %dma_wait3A_67 = tpu.memref_slice %arg5[%add3A_36] : memref<99904xi32, #tpu.memory_space<hbm>> -> memref<448xi32, #tpu.memory_space<hbm>>
        tpu.wait_dma2 semaphore(%run_scoped3A : memref<!tpu.dma_semaphore, #tpu.memory_space<semaphore_mem>>) src(%dma_wait3A_67 : memref<448xi32, #tpu.memory_space<hbm>>) dst(%arg8 : memref<448xi32, #tpu.memory_space<vmem>>)
        tpu.yield
      }) : () -> ()
      %dma_start3A = arith.constant 0 : i32
      %dma_start3A_49 = arith.constant 0 : i32
      %dma_start3A_50 = tpu.memref_slice %arg2[%dma_start3A, %dma_start3A_49] : memref<50176x32xf32, #tpu.memory_space<hbm>> -> memref<50176x32xf32, #tpu.memory_space<hbm>>
      tpu.enqueue_indirect_dma source(%dma_start3A_50 : memref<50176x32xf32, #tpu.memory_space<hbm>>) target(%arg9 : memref<448x32xf32, #tpu.memory_space<vmem>>) offsets(%arg7 : memref<448xi32, #tpu.memory_space<vmem>>) semaphore(%arg12 : memref<!tpu.dma_semaphore, #tpu.memory_space<semaphore_mem>>)
      %dma_start3A_51 = arith.constant 0 : i32
      %dma_start3A_52 = arith.constant 0 : i32
      %dma_start3A_53 = tpu.memref_slice %arg3[%dma_start3A_51, %dma_start3A_52] : memref<50176x32xf32, #tpu.memory_space<hbm>> -> memref<50176x32xf32, #tpu.memory_space<hbm>>
      tpu.enqueue_indirect_dma source(%dma_start3A_53 : memref<50176x32xf32, #tpu.memory_space<hbm>>) target(%arg10 : memref<448x32xf32, #tpu.memory_space<vmem>>) offsets(%arg8 : memref<448xi32, #tpu.memory_space<vmem>>) semaphore(%arg13 : memref<!tpu.dma_semaphore, #tpu.memory_space<semaphore_mem>>)
      %dma_wait3A = arith.constant 0 : i32
      %dma_wait3A_54 = arith.constant 0 : i32
      %dma_wait3A_55 = tpu.memref_slice %arg2[%dma_wait3A, %dma_wait3A_54] : memref<50176x32xf32, #tpu.memory_space<hbm>> -> memref<50176x32xf32, #tpu.memory_space<hbm>>
      tpu.wait_indirect_dma semaphore(%arg12 : memref<!tpu.dma_semaphore, #tpu.memory_space<semaphore_mem>>) src(%dma_wait3A_55 : memref<50176x32xf32, #tpu.memory_space<hbm>>) dst(%arg9 : memref<448x32xf32, #tpu.memory_space<vmem>>)
      %dma_wait3A_56 = arith.constant 0 : i32
      %dma_wait3A_57 = arith.constant 0 : i32
      %dma_wait3A_58 = tpu.memref_slice %arg3[%dma_wait3A_56, %dma_wait3A_57] : memref<50176x32xf32, #tpu.memory_space<hbm>> -> memref<50176x32xf32, #tpu.memory_space<hbm>>
      tpu.wait_indirect_dma semaphore(%arg13 : memref<!tpu.dma_semaphore, #tpu.memory_space<semaphore_mem>>) src(%dma_wait3A_58 : memref<50176x32xf32, #tpu.memory_space<hbm>>) dst(%arg10 : memref<448x32xf32, #tpu.memory_space<vmem>>)
      %scan3A = arith.constant 0 : i32
      %scan3A_59 = arith.constant 0 : i32
      %scan3A_60 = arith.constant 448 : i32
      %scan3A_61 = arith.addi %scan3A_59, %scan3A_60 : i32
      %scan3A_62 = arith.constant 1 : i32
      scf.for %scan3A_64 = %scan3A_59 to %scan3A_61 step %scan3A_62  : i32 {
        %get3A = arith.index_cast %scan3A_64 : i32 to index
        %get3A_65 = arith.constant 0 : index
        %get3A_66 = tpu.vector_load %arg9[%get3A, %get3A_65] {strides = array<i32>} : memref<448x32xf32, #tpu.memory_space<vmem>>, vector<1x16xf32>,
        %get3A_67 = vector.shape_cast %get3A_66 : vector<1x16xf32> to vector<16xf32>
        %get3A_68 = arith.index_cast %scan3A_64 : i32 to index
        %get3A_69 = arith.constant 0 : index
        %get3A_70 = tpu.vector_load %arg10[%get3A_68, %get3A_69] {strides = array<i32>} : memref<448x32xf32, #tpu.memory_space<vmem>>, vector<1x16xf32>,
        %get3A_71 = vector.shape_cast %get3A_70 : vector<1x16xf32> to vector<16xf32>
        %add3A_72 = arith.addf %get3A_67, %get3A_71 : vector<16xf32>
        %swap3A = arith.index_cast %scan3A_64 : i32 to index
        %swap3A_73 = arith.constant 0 : index
        %swap3A_74 = tpu.vector_load %arg11[%swap3A, %swap3A_73] {strides = array<i32>} : memref<448x21xf32, #tpu.memory_space<vmem>>, vector<1x16xf32>,
        %swap3A_75 = vector.shape_cast %swap3A_74 : vector<1x16xf32> to vector<16xf32>
        %swap3A_76 = vector.shape_cast %add3A_72 : vector<16xf32> to vector<1x16xf32>
        tpu.vector_store %arg11[%swap3A, %swap3A_73], %swap3A_76 {strides = array<i32>} : memref<448x21xf32, #tpu.memory_space<vmem>>, vector<1x16xf32>,
        %get3A_77 = arith.index_cast %scan3A_64 : i32 to index
        %get3A_78 = arith.constant 5 : index
        %get3A_79 = tpu.vector_load %arg9[%get3A_77, %get3A_78] {strides = array<i32>} : memref<448x32xf32, #tpu.memory_space<vmem>>, vector<1x16xf32>,
        %get3A_80 = vector.shape_cast %get3A_79 : vector<1x16xf32> to vector<16xf32>
        %get3A_81 = arith.index_cast %scan3A_64 : i32 to index
        %get3A_82 = arith.constant 5 : index
        %get3A_83 = tpu.vector_load %arg10[%get3A_81, %get3A_82] {strides = array<i32>} : memref<448x32xf32, #tpu.memory_space<vmem>>, vector<1x16xf32>,
        %get3A_84 = vector.shape_cast %get3A_83 : vector<1x16xf32> to vector<16xf32>
        %add3A_85 = arith.addf %get3A_80, %get3A_84 : vector<16xf32>
        %swap3A_86 = arith.index_cast %scan3A_64 : i32 to index
        %swap3A_87 = arith.constant 5 : index
        %swap3A_88 = tpu.vector_load %arg11[%swap3A_86, %swap3A_87] {strides = array<i32>} : memref<448x21xf32, #tpu.memory_space<vmem>>, vector<1x16xf32>,
        %swap3A_89 = vector.shape_cast %swap3A_88 : vector<1x16xf32> to vector<16xf32>
        %swap3A_90 = vector.shape_cast %add3A_85 : vector<16xf32> to vector<1x16xf32>
        tpu.vector_store %arg11[%swap3A_86, %swap3A_87], %swap3A_90 {strides = array<i32>} : memref<448x21xf32, #tpu.memory_space<vmem>>, vector<1x16xf32>,
      }
      %scan3A_63 = arith.constant 448 : i32
      "tpu.region"() ({
        %run_scoped3A = tpu.sem_alloc : memref<!tpu.dma_semaphore, #tpu.memory_space<semaphore_mem>>
        %dma_start3A_64 = arith.constant 0 : i32
        %dma_start3A_65 = tpu.memref_slice %arg6[%add3A_36, %dma_start3A_64] : memref<99904x21xf32, #tpu.memory_space<hbm>> -> memref<448x21xf32, #tpu.memory_space<hbm>>
        %dma_start3A_66 = arith.constant 0 : i32
        %dma_start3A_67 = tpu.memref_slice %arg6[%add3A_36, %dma_start3A_66] : memref<99904x21xf32, #tpu.memory_space<hbm>> -> memref<448x21xf32, #tpu.memory_space<hbm>>
        tpu.enqueue_dma source(%arg11 : memref<448x21xf32, #tpu.memory_space<vmem>>) target(%dma_start3A_67 : memref<448x21xf32, #tpu.memory_space<hbm>>) target_semaphore(%run_scoped3A : memref<!tpu.dma_semaphore, #tpu.memory_space<semaphore_mem>>)
        %dma_wait3A_68 = arith.constant 0 : i32
        %dma_wait3A_69 = tpu.memref_slice %arg6[%add3A_36, %dma_wait3A_68] : memref<99904x21xf32, #tpu.memory_space<hbm>> -> memref<448x21xf32, #tpu.memory_space<hbm>>
        %dma_wait3A_70 = arith.constant 0 : i32
        %dma_wait3A_71 = tpu.memref_slice %arg6[%add3A_36, %dma_wait3A_70] : memref<99904x21xf32, #tpu.memory_space<hbm>> -> memref<448x21xf32, #tpu.memory_space<hbm>>
        tpu.wait_dma2 semaphore(%run_scoped3A : memref<!tpu.dma_semaphore, #tpu.memory_space<semaphore_mem>>) src(%arg11 : memref<448x21xf32, #tpu.memory_space<vmem>>) dst(%dma_wait3A_71 : memref<448x21xf32, #tpu.memory_space<hbm>>)
        tpu.yield
      }) : () -> ()
    } else {
    }
    %add3A_42 = arith.constant 2688 : i32
    %add3A_43 = arith.addi %mul3A_2, %add3A_42 : i32
    %lt3A_44 = arith.constant 99904 : i32
    %lt3A_45 = arith.cmpi slt, %add3A_43, %lt3A_44 : i32
    %convert_element_type3A_46 = arith.extui %lt3A_45 : i1 to i32
    %cond3A_47 = arith.constant 0 : i32
    %cond3A_48 = arith.cmpi ne, %convert_element_type3A_46, %cond3A_47 : i32
    scf.if %cond3A_48 {
      "tpu.region"() ({
        %run_scoped3A = tpu.sem_alloc : memref<!tpu.dma_semaphore, #tpu.memory_space<semaphore_mem>>
        %dma_start3A_64 = tpu.memref_slice %arg4[%add3A_43] : memref<99904xi32, #tpu.memory_space<hbm>> -> memref<448xi32, #tpu.memory_space<hbm>>
        %dma_start3A_65 = tpu.memref_slice %arg4[%add3A_43] : memref<99904xi32, #tpu.memory_space<hbm>> -> memref<448xi32, #tpu.memory_space<hbm>>
        tpu.enqueue_dma source(%dma_start3A_65 : memref<448xi32, #tpu.memory_space<hbm>>) target(%arg7 : memref<448xi32, #tpu.memory_space<vmem>>) target_semaphore(%run_scoped3A : memref<!tpu.dma_semaphore, #tpu.memory_space<semaphore_mem>>)
        %dma_wait3A_66 = tpu.memref_slice %arg4[%add3A_43] : memref<99904xi32, #tpu.memory_space<hbm>> -> memref<448xi32, #tpu.memory_space<hbm>>
        %dma_wait3A_67 = tpu.memref_slice %arg4[%add3A_43] : memref<99904xi32, #tpu.memory_space<hbm>> -> memref<448xi32, #tpu.memory_space<hbm>>
        tpu.wait_dma2 semaphore(%run_scoped3A : memref<!tpu.dma_semaphore, #tpu.memory_space<semaphore_mem>>) src(%dma_wait3A_67 : memref<448xi32, #tpu.memory_space<hbm>>) dst(%arg7 : memref<448xi32, #tpu.memory_space<vmem>>)
        tpu.yield
      }) : () -> ()
      "tpu.region"() ({
        %run_scoped3A = tpu.sem_alloc : memref<!tpu.dma_semaphore, #tpu.memory_space<semaphore_mem>>
        %dma_start3A_64 = tpu.memref_slice %arg5[%add3A_43] : memref<99904xi32, #tpu.memory_space<hbm>> -> memref<448xi32, #tpu.memory_space<hbm>>
        %dma_start3A_65 = tpu.memref_slice %arg5[%add3A_43] : memref<99904xi32, #tpu.memory_space<hbm>> -> memref<448xi32, #tpu.memory_space<hbm>>
        tpu.enqueue_dma source(%dma_start3A_65 : memref<448xi32, #tpu.memory_space<hbm>>) target(%arg8 : memref<448xi32, #tpu.memory_space<vmem>>) target_semaphore(%run_scoped3A : memref<!tpu.dma_semaphore, #tpu.memory_space<semaphore_mem>>)
        %dma_wait3A_66 = tpu.memref_slice %arg5[%add3A_43] : memref<99904xi32, #tpu.memory_space<hbm>> -> memref<448xi32, #tpu.memory_space<hbm>>
        %dma_wait3A_67 = tpu.memref_slice %arg5[%add3A_43] : memref<99904xi32, #tpu.memory_space<hbm>> -> memref<448xi32, #tpu.memory_space<hbm>>
        tpu.wait_dma2 semaphore(%run_scoped3A : memref<!tpu.dma_semaphore, #tpu.memory_space<semaphore_mem>>) src(%dma_wait3A_67 : memref<448xi32, #tpu.memory_space<hbm>>) dst(%arg8 : memref<448xi32, #tpu.memory_space<vmem>>)
        tpu.yield
      }) : () -> ()
      %dma_start3A = arith.constant 0 : i32
      %dma_start3A_49 = arith.constant 0 : i32
      %dma_start3A_50 = tpu.memref_slice %arg2[%dma_start3A, %dma_start3A_49] : memref<50176x32xf32, #tpu.memory_space<hbm>> -> memref<50176x32xf32, #tpu.memory_space<hbm>>
      tpu.enqueue_indirect_dma source(%dma_start3A_50 : memref<50176x32xf32, #tpu.memory_space<hbm>>) target(%arg9 : memref<448x32xf32, #tpu.memory_space<vmem>>) offsets(%arg7 : memref<448xi32, #tpu.memory_space<vmem>>) semaphore(%arg12 : memref<!tpu.dma_semaphore, #tpu.memory_space<semaphore_mem>>)
      %dma_start3A_51 = arith.constant 0 : i32
      %dma_start3A_52 = arith.constant 0 : i32
      %dma_start3A_53 = tpu.memref_slice %arg3[%dma_start3A_51, %dma_start3A_52] : memref<50176x32xf32, #tpu.memory_space<hbm>> -> memref<50176x32xf32, #tpu.memory_space<hbm>>
      tpu.enqueue_indirect_dma source(%dma_start3A_53 : memref<50176x32xf32, #tpu.memory_space<hbm>>) target(%arg10 : memref<448x32xf32, #tpu.memory_space<vmem>>) offsets(%arg8 : memref<448xi32, #tpu.memory_space<vmem>>) semaphore(%arg13 : memref<!tpu.dma_semaphore, #tpu.memory_space<semaphore_mem>>)
      %dma_wait3A = arith.constant 0 : i32
      %dma_wait3A_54 = arith.constant 0 : i32
      %dma_wait3A_55 = tpu.memref_slice %arg2[%dma_wait3A, %dma_wait3A_54] : memref<50176x32xf32, #tpu.memory_space<hbm>> -> memref<50176x32xf32, #tpu.memory_space<hbm>>
      tpu.wait_indirect_dma semaphore(%arg12 : memref<!tpu.dma_semaphore, #tpu.memory_space<semaphore_mem>>) src(%dma_wait3A_55 : memref<50176x32xf32, #tpu.memory_space<hbm>>) dst(%arg9 : memref<448x32xf32, #tpu.memory_space<vmem>>)
      %dma_wait3A_56 = arith.constant 0 : i32
      %dma_wait3A_57 = arith.constant 0 : i32
      %dma_wait3A_58 = tpu.memref_slice %arg3[%dma_wait3A_56, %dma_wait3A_57] : memref<50176x32xf32, #tpu.memory_space<hbm>> -> memref<50176x32xf32, #tpu.memory_space<hbm>>
      tpu.wait_indirect_dma semaphore(%arg13 : memref<!tpu.dma_semaphore, #tpu.memory_space<semaphore_mem>>) src(%dma_wait3A_58 : memref<50176x32xf32, #tpu.memory_space<hbm>>) dst(%arg10 : memref<448x32xf32, #tpu.memory_space<vmem>>)
      %scan3A = arith.constant 0 : i32
      %scan3A_59 = arith.constant 0 : i32
      %scan3A_60 = arith.constant 448 : i32
      %scan3A_61 = arith.addi %scan3A_59, %scan3A_60 : i32
      %scan3A_62 = arith.constant 1 : i32
      scf.for %scan3A_64 = %scan3A_59 to %scan3A_61 step %scan3A_62  : i32 {
        %get3A = arith.index_cast %scan3A_64 : i32 to index
        %get3A_65 = arith.constant 0 : index
        %get3A_66 = tpu.vector_load %arg9[%get3A, %get3A_65] {strides = array<i32>} : memref<448x32xf32, #tpu.memory_space<vmem>>, vector<1x16xf32>,
        %get3A_67 = vector.shape_cast %get3A_66 : vector<1x16xf32> to vector<16xf32>
        %get3A_68 = arith.index_cast %scan3A_64 : i32 to index
        %get3A_69 = arith.constant 0 : index
        %get3A_70 = tpu.vector_load %arg10[%get3A_68, %get3A_69] {strides = array<i32>} : memref<448x32xf32, #tpu.memory_space<vmem>>, vector<1x16xf32>,
        %get3A_71 = vector.shape_cast %get3A_70 : vector<1x16xf32> to vector<16xf32>
        %add3A_72 = arith.addf %get3A_67, %get3A_71 : vector<16xf32>
        %swap3A = arith.index_cast %scan3A_64 : i32 to index
        %swap3A_73 = arith.constant 0 : index
        %swap3A_74 = tpu.vector_load %arg11[%swap3A, %swap3A_73] {strides = array<i32>} : memref<448x21xf32, #tpu.memory_space<vmem>>, vector<1x16xf32>,
        %swap3A_75 = vector.shape_cast %swap3A_74 : vector<1x16xf32> to vector<16xf32>
        %swap3A_76 = vector.shape_cast %add3A_72 : vector<16xf32> to vector<1x16xf32>
        tpu.vector_store %arg11[%swap3A, %swap3A_73], %swap3A_76 {strides = array<i32>} : memref<448x21xf32, #tpu.memory_space<vmem>>, vector<1x16xf32>,
        %get3A_77 = arith.index_cast %scan3A_64 : i32 to index
        %get3A_78 = arith.constant 5 : index
        %get3A_79 = tpu.vector_load %arg9[%get3A_77, %get3A_78] {strides = array<i32>} : memref<448x32xf32, #tpu.memory_space<vmem>>, vector<1x16xf32>,
        %get3A_80 = vector.shape_cast %get3A_79 : vector<1x16xf32> to vector<16xf32>
        %get3A_81 = arith.index_cast %scan3A_64 : i32 to index
        %get3A_82 = arith.constant 5 : index
        %get3A_83 = tpu.vector_load %arg10[%get3A_81, %get3A_82] {strides = array<i32>} : memref<448x32xf32, #tpu.memory_space<vmem>>, vector<1x16xf32>,
        %get3A_84 = vector.shape_cast %get3A_83 : vector<1x16xf32> to vector<16xf32>
        %add3A_85 = arith.addf %get3A_80, %get3A_84 : vector<16xf32>
        %swap3A_86 = arith.index_cast %scan3A_64 : i32 to index
        %swap3A_87 = arith.constant 5 : index
        %swap3A_88 = tpu.vector_load %arg11[%swap3A_86, %swap3A_87] {strides = array<i32>} : memref<448x21xf32, #tpu.memory_space<vmem>>, vector<1x16xf32>,
        %swap3A_89 = vector.shape_cast %swap3A_88 : vector<1x16xf32> to vector<16xf32>
        %swap3A_90 = vector.shape_cast %add3A_85 : vector<16xf32> to vector<1x16xf32>
        tpu.vector_store %arg11[%swap3A_86, %swap3A_87], %swap3A_90 {strides = array<i32>} : memref<448x21xf32, #tpu.memory_space<vmem>>, vector<1x16xf32>,
      }
      %scan3A_63 = arith.constant 448 : i32
      "tpu.region"() ({
        %run_scoped3A = tpu.sem_alloc : memref<!tpu.dma_semaphore, #tpu.memory_space<semaphore_mem>>
        %dma_start3A_64 = arith.constant 0 : i32
        %dma_start3A_65 = tpu.memref_slice %arg6[%add3A_43, %dma_start3A_64] : memref<99904x21xf32, #tpu.memory_space<hbm>> -> memref<448x21xf32, #tpu.memory_space<hbm>>
        %dma_start3A_66 = arith.constant 0 : i32
        %dma_start3A_67 = tpu.memref_slice %arg6[%add3A_43, %dma_start3A_66] : memref<99904x21xf32, #tpu.memory_space<hbm>> -> memref<448x21xf32, #tpu.memory_space<hbm>>
        tpu.enqueue_dma source(%arg11 : memref<448x21xf32, #tpu.memory_space<vmem>>) target(%dma_start3A_67 : memref<448x21xf32, #tpu.memory_space<hbm>>) target_semaphore(%run_scoped3A : memref<!tpu.dma_semaphore, #tpu.memory_space<semaphore_mem>>)
        %dma_wait3A_68 = arith.constant 0 : i32
        %dma_wait3A_69 = tpu.memref_slice %arg6[%add3A_43, %dma_wait3A_68] : memref<99904x21xf32, #tpu.memory_space<hbm>> -> memref<448x21xf32, #tpu.memory_space<hbm>>
        %dma_wait3A_70 = arith.constant 0 : i32
        %dma_wait3A_71 = tpu.memref_slice %arg6[%add3A_43, %dma_wait3A_70] : memref<99904x21xf32, #tpu.memory_space<hbm>> -> memref<448x21xf32, #tpu.memory_space<hbm>>
        tpu.wait_dma2 semaphore(%run_scoped3A : memref<!tpu.dma_semaphore, #tpu.memory_space<semaphore_mem>>) src(%arg11 : memref<448x21xf32, #tpu.memory_space<vmem>>) dst(%dma_wait3A_71 : memref<448x21xf32, #tpu.memory_space<hbm>>)
        tpu.yield
      }) : () -> ()
    } else {
    }
    return
  }
}

module attributes {stable_mosaic.version = 14 : i64} {
  func.func @_mm_body(%arg0: i32, %arg1: memref<512x128xf32, #tpu.memory_space<vmem>>, %arg2: memref<128x21xf32, #tpu.memory_space<vmem>>, %arg3: memref<1x21xf32, #tpu.memory_space<vmem>>, %arg4: memref<128x32xf32, #tpu.memory_space<vmem>>, %arg5: memref<128x32xf32, #tpu.memory_space<vmem>>, %arg6: memref<1x32xf32, #tpu.memory_space<vmem>>, %arg7: memref<512x21xf32, #tpu.memory_space<vmem>>, %arg8: memref<512x32xf32, #tpu.memory_space<vmem>>, %arg9: memref<512x32xf32, #tpu.memory_space<vmem>>) attributes {dimension_semantics = [#tpu.dimension_semantics<arbitrary>], iteration_bounds = array<i64: 98>, scalar_prefetch = 0 : i64, scratch_operands = 0 : i64, tpu.core_type = #tpu.core_type<tc>, window_params = [{transform_indices = @transform_0, window_bounds = array<i64: 512, 128>}, {pipeline_mode = #tpu.pipeline_mode<synchronous>, transform_indices = @transform_1, window_bounds = array<i64: 128, 21>}, {pipeline_mode = #tpu.pipeline_mode<synchronous>, transform_indices = @transform_2, window_bounds = array<i64: 1, 21>}, {pipeline_mode = #tpu.pipeline_mode<synchronous>, transform_indices = @transform_3, window_bounds = array<i64: 128, 32>}, {pipeline_mode = #tpu.pipeline_mode<synchronous>, transform_indices = @transform_4, window_bounds = array<i64: 128, 32>}, {pipeline_mode = #tpu.pipeline_mode<synchronous>, transform_indices = @transform_5, window_bounds = array<i64: 1, 32>}, {transform_indices = @transform_6, window_bounds = array<i64: 512, 21>}, {transform_indices = @transform_7, window_bounds = array<i64: 512, 32>}, {transform_indices = @transform_8, window_bounds = array<i64: 512, 32>}]} {
    %get3A = arith.constant 0 : index
    %get3A_0 = arith.constant 0 : index
    %get3A_1 = vector.load %arg1[%get3A, %get3A_0] : memref<512x128xf32, #tpu.memory_space<vmem>>, vector<512x128xf32>
    %get3A_2 = arith.constant 0 : index
    %get3A_3 = arith.constant 0 : index
    %get3A_4 = vector.load %arg2[%get3A_2, %get3A_3] : memref<128x21xf32, #tpu.memory_space<vmem>>, vector<128x21xf32>
    %dot_general3A = arith.constant dense<0.000000e+00> : vector<512x21xf32>
    %dot_general3A_5 = tpu.matmul %get3A_1, %get3A_4, %dot_general3A {dimension_numbers = #tpu.dot_dimension_numbers<[1], [0], [0], [1], [0, 0, 1, 1], [], []>, transpose_lhs_hint = false} : vector<512x128xf32>, vector<128x21xf32>, vector<512x21xf32> -> vector<512x21xf32>
    %get3A_6 = arith.constant 0 : index
    %get3A_7 = arith.constant 0 : index
    %get3A_8 = vector.load %arg3[%get3A_6, %get3A_7] : memref<1x21xf32, #tpu.memory_space<vmem>>, vector<1x21xf32>
    %add3A = vector.broadcast %get3A_8 : vector<1x21xf32> to vector<512x21xf32>
    %add3A_9 = arith.addf %dot_general3A_5, %add3A : vector<512x21xf32>
    %swap3A = arith.constant 0 : index
    %swap3A_10 = arith.constant 0 : index
    %swap3A_11 = vector.load %arg7[%swap3A, %swap3A_10] : memref<512x21xf32, #tpu.memory_space<vmem>>, vector<512x21xf32>
    tpu.vector_store %arg7[%swap3A, %swap3A_10], %add3A_9 {strides = array<i32>} : memref<512x21xf32, #tpu.memory_space<vmem>>, vector<512x21xf32>,
    %get3A_12 = arith.constant 0 : index
    %get3A_13 = arith.constant 0 : index
    %get3A_14 = vector.load %arg4[%get3A_12, %get3A_13] : memref<128x32xf32, #tpu.memory_space<vmem>>, vector<128x32xf32>
    %dot_general3A_15 = arith.constant dense<0.000000e+00> : vector<512x32xf32>
    %dot_general3A_16 = tpu.matmul %get3A_1, %get3A_14, %dot_general3A_15 {dimension_numbers = #tpu.dot_dimension_numbers<[1], [0], [0], [1], [0, 0, 1, 1], [], []>, transpose_lhs_hint = false} : vector<512x128xf32>, vector<128x32xf32>, vector<512x32xf32> -> vector<512x32xf32>
    %get3A_17 = arith.constant 0 : index
    %get3A_18 = arith.constant 0 : index
    %get3A_19 = vector.load %arg6[%get3A_17, %get3A_18] : memref<1x32xf32, #tpu.memory_space<vmem>>, vector<1x32xf32>
    %add3A_20 = vector.broadcast %get3A_19 : vector<1x32xf32> to vector<512x32xf32>
    %add3A_21 = arith.addf %dot_general3A_16, %add3A_20 : vector<512x32xf32>
    %swap3A_22 = arith.constant 0 : index
    %swap3A_23 = arith.constant 0 : index
    %swap3A_24 = vector.load %arg8[%swap3A_22, %swap3A_23] : memref<512x32xf32, #tpu.memory_space<vmem>>, vector<512x32xf32>
    tpu.vector_store %arg8[%swap3A_22, %swap3A_23], %add3A_21 {strides = array<i32>} : memref<512x32xf32, #tpu.memory_space<vmem>>, vector<512x32xf32>,
    %get3A_25 = arith.constant 0 : index
    %get3A_26 = arith.constant 0 : index
    %get3A_27 = vector.load %arg5[%get3A_25, %get3A_26] : memref<128x32xf32, #tpu.memory_space<vmem>>, vector<128x32xf32>
    %dot_general3A_28 = arith.constant dense<0.000000e+00> : vector<512x32xf32>
    %dot_general3A_29 = tpu.matmul %get3A_1, %get3A_27, %dot_general3A_28 {dimension_numbers = #tpu.dot_dimension_numbers<[1], [0], [0], [1], [0, 0, 1, 1], [], []>, transpose_lhs_hint = false} : vector<512x128xf32>, vector<128x32xf32>, vector<512x32xf32> -> vector<512x32xf32>
    %swap3A_30 = arith.constant 0 : index
    %swap3A_31 = arith.constant 0 : index
    %swap3A_32 = vector.load %arg9[%swap3A_30, %swap3A_31] : memref<512x32xf32, #tpu.memory_space<vmem>>, vector<512x32xf32>
    tpu.vector_store %arg9[%swap3A_30, %swap3A_31], %dot_general3A_29 {strides = array<i32>} : memref<512x32xf32, #tpu.memory_space<vmem>>, vector<512x32xf32>,
    return
  }
  func.func @transform_0(%arg0: i32) -> (i32, i32) {
    %c0_i32 = arith.constant 0 : i32
    %c0_i32_0 = arith.constant 0 : i32
    return %arg0, %c0_i32 : i32, i32
  }
  func.func @transform_1(%arg0: i32) -> (i32, i32) {
    %c0_i32 = arith.constant 0 : i32
    %c0_i32_0 = arith.constant 0 : i32
    %c0_i32_1 = arith.constant 0 : i32
    return %c0_i32, %c0_i32_0 : i32, i32
  }
  func.func @transform_2(%arg0: i32) -> (i32, i32) {
    %c0_i32 = arith.constant 0 : i32
    %c0_i32_0 = arith.constant 0 : i32
    %c0_i32_1 = arith.constant 0 : i32
    return %c0_i32, %c0_i32_0 : i32, i32
  }
  func.func @transform_3(%arg0: i32) -> (i32, i32) {
    %c0_i32 = arith.constant 0 : i32
    %c0_i32_0 = arith.constant 0 : i32
    %c0_i32_1 = arith.constant 0 : i32
    return %c0_i32, %c0_i32_0 : i32, i32
  }
  func.func @transform_4(%arg0: i32) -> (i32, i32) {
    %c0_i32 = arith.constant 0 : i32
    %c0_i32_0 = arith.constant 0 : i32
    %c0_i32_1 = arith.constant 0 : i32
    return %c0_i32, %c0_i32_0 : i32, i32
  }
  func.func @transform_5(%arg0: i32) -> (i32, i32) {
    %c0_i32 = arith.constant 0 : i32
    %c0_i32_0 = arith.constant 0 : i32
    %c0_i32_1 = arith.constant 0 : i32
    return %c0_i32, %c0_i32_0 : i32, i32
  }
  func.func @transform_6(%arg0: i32) -> (i32, i32) {
    %c0_i32 = arith.constant 0 : i32
    %c0_i32_0 = arith.constant 0 : i32
    return %arg0, %c0_i32 : i32, i32
  }
  func.func @transform_7(%arg0: i32) -> (i32, i32) {
    %c0_i32 = arith.constant 0 : i32
    %c0_i32_0 = arith.constant 0 : i32
    return %arg0, %c0_i32 : i32, i32
  }
  func.func @transform_8(%arg0: i32) -> (i32, i32) {
    %c0_i32 = arith.constant 0 : i32
    %c0_i32_0 = arith.constant 0 : i32
    return %arg0, %c0_i32 : i32, i32
  }
}

</mosaic_0001>

<sc_bundles>
// kernel: kernel.4.cloned.1.call-start
scs
__scs_entry_jumppad:
0x0: {  	(pc) =	sbr.rel $0x88, $3  }
0x1: {  	(tag) =	ssettag $0x0;
	lr =	simm.s32 $0x1  }
0x2: {  	[smem:$0x3F9B] =	sst lr;
	_ =	strace $0xD0000000  }
0x3: {  	_ = 	snop  }
0x4: {  	_ = 	snop  }
0x5: {  	_ = 	snop  }
0x6: {  	_ = 	snop  }
0x7: {  	_ = 	snop  }
__scs_overlays_trampoline_lowered:
0x8: {  	[smem:$0x3FAA] =	sst s0  }
0x9: {  	[smem:$0x3FAB] =	sst s1  }
0xa: {  	[smem:$0x3FAC] =	sst s2  }
0xb: {  	[smem:$0x3FAD] =	sst s3  }
0xc: {  	[smem:$0x3FAE] =	sst s4  }
0xd: {  	[smem:$0x3FAF] =	sst s5  }
0xe: {  	[smem:$0x3FB0] =	sst s6  }
0xf: {  	[smem:$0x3FB1] =	sst s7  }
0x10: {  	[smem:$0x3FB2] =	sst s8  }
0x11: {  	[smem:$0x3FB3] =	sst s9;
	s0 =	simm.s32 @!p0 $0x0  }
0x12: {  	s1 =	sld [smem:$0x3F99];
	s0 =	simm.s32 @p0 $0x1  }
0x13: {  	[smem:$0x3FB4] =	sst s0;
	s0 =	simm.s32 @!p1 $0x0  }
0x14: {  	s2 =	sld [smem:$0x3F98];
	s0 =	simm.s32 @p1 $0x1  }
0x15: {  	[smem:$0x3FB5] =	sst s0;
	s0 =	simm.s32 @!p2 $0x0  }
0x16: {  	s3 =	sld [smem:$0x3FDB];
	s0 =	simm.s32 @p2 $0x1  }
0x17: {  	s4 =	simm.s32 $0x1BF5;
	[smem:$0x3FB7] =	sst s0  }
0x18: {  	s0 =	sld [smem:$0x3F9A];
	_ =	swait.ge [sflag:s4], $0x0  }
0x19: {  	s7 =	sld [smem:$0x3F9B]  }
0x1a: {  	s8 =	sadd.s32 $0xFFFFE003, lr  }
0x1b: {  	s9 =	sadd.s32 $0xFFFFFEF7, lr;
	s5 =	simm.s32 $0xFFFFFFFF;
	p2 =	slt.u32 s8, $0xFFFFF086  }
0x1c: {  	p1 =	slt.u32 s9, $0xF7A;
	s5 =	simm.s32 @!p2 $0x0  }
0x1d: {  	s5 =	simm.s32 @p1 $0x1;
	p0 =	seq.s32 s7, s2  }
0x1e: {  	s7 =	smul.u32 @!p0 $0xF7A, s2;
	p2 =	seq.s32 @!p0 s5, $0x0  }
0x1f: {  	s9 =	smul.u32 $0xF7A, s1;
	s8 =	simm.s32 @!p0 $0x1BF5;
	p2 =	por !p2, p0  }
0x20: {  	[sflag:s8] =	ssyncset.s32 @!p0 $0xFFFFF086;
	s6 =	sadd.s32 @!p0 s3, s7;
	s7 =	simm.s32 @!p0 $0x108  }
0x21: {  	s3 =	sadd.s32 s3, s9;
	s6 =	sadd.s32 @!p0 $0x88, s6;
	s7 =	simm.s32 @p2 $0x1082  }
0x22: {  	[simem:s7], [sflag:s8] =	dma.local @!p0 [hbm:s6], $0xF7A  }
0x23: {  	s9 =	sor.u32 $0xD0000000, s2;
	s6 =	simm.s32 $0x108;
	_ =	swait.ge @!p0 [sflag:s8], $0x0  }
0x24: {  	s3 =	sadd.s32 $0x88, s3;
	s6 =	simm.s32 @!p1 $0x1082;
	[sflag:s4] =	ssyncset.s32 $0xFFFFF086  }
0x25: {  	[simem:s6], [sflag:s4] =	dma.local [hbm:s3], $0xF7A  }
0x26: {  	[smem:$0x3F9B] =	sst s1;
	(tag) =	ssettag s2;
	_ =	strace s9  }
0x27: {  	s1 =	sld [smem:$0x3FAB]  }
0x28: {  	s2 =	sld [smem:$0x3FAC]  }
0x29: {  	s4 =	sld [smem:$0x3FAE]  }
0x2a: {  	p0 =	seq.s32 s5, $0x0;
	s5 =	sld [smem:$0x3FAF]  }
0x2b: {  	s6 =	sld [smem:$0x3FB0]  }
0x2c: {  	s7 =	sld [smem:$0x3FB1]  }
0x2d: {  	s3 =	simm.s32 $0x108;
	s8 =	sld [smem:$0x3FB2]  }
0x2e: {  	s3 =	simm.s32 @!p0 $0x1082;
	s9 =	sld [smem:$0x3FB3]  }
0x2f: {  	lr =	sadd.s32 s0, s3;
	s0 =	sld [smem:$0x3FAA]  }
0x30: {  	s3 =	sld [smem:$0x3FAD]  }
0x31: {  	[smem:$0x3FB6] =	sst s10  }
0x32: {  	s10 =	sld [smem:$0x3FB4];
	_ =	sdelay $0x3  }
0x33: {  	p0 =	seq.s32 s10, $0x1;
	s10 =	sld [smem:$0x3FB6];
	_ =	sdelay $0x3  }
0x34: {  	[smem:$0x3FB6] =	sst s10  }
0x35: {  	s10 =	sld [smem:$0x3FB5];
	_ =	sdelay $0x3  }
0x36: {  	p1 =	seq.s32 s10, $0x1;
	s10 =	sld [smem:$0x3FB6];
	_ =	sdelay $0x3  }
0x37: {  	[smem:$0x3FB6] =	sst s10  }
0x38: {  	s10 =	sld [smem:$0x3FB7]  }
0x39: {  	_ = 	snop;
	(pc) =	sbr.ind lr, $3  }
0x3a: {  	_ = 	snop  }
0x3b: {  	_ = 	snop  }
0x3c: {  	p2 =	seq.s32 s10, $0x1;
	s10 =	sld [smem:$0x3FB6]  }
0x3d: {  	_ =	shalt  }
0x3e: {  	_ =	shalt  }
0x3f: {  	_ =	shalt  }
0x40: {  	_ =	shalt  }
0x41: {  	_ =	shalt  }
0x42: {  	_ =	shalt  }
0x43: {  	_ =	shalt  }
0x44: {  	_ =	shalt  }
0x45: {  	_ =	shalt  }
0x46: {  	_ =	shalt  }
0x47: {  	_ =	shalt  }
0x48: {  	_ =	shalt  }
0x49: {  	_ =	shalt  }
0x4a: {  	_ =	shalt  }
0x4b: {  	_ =	shalt  }
0x4c: {  	_ =	shalt  }
0x4d: {  	_ =	shalt  }
0x4e: {  	_ =	shalt  }
0x4f: {  	_ =	shalt  }
0x50: {  	_ =	shalt  }
0x51: {  	_ =	shalt  }
0x52: {  	_ =	shalt  }
0x53: {  	_ =	shalt  }
0x54: {  	_ =	shalt  }
0x55: {  	_ =	shalt  }
0x56: {  	_ =	shalt  }
0x57: {  	_ =	shalt  }
0x58: {  	_ =	shalt  }
0x59: {  	_ =	shalt  }
0x5a: {  	_ =	shalt  }
0x5b: {  	_ =	shalt  }
0x5c: {  	_ =	shalt  }
0x5d: {  	_ =	shalt  }
0x5e: {  	_ =	shalt  }
0x5f: {  	_ =	shalt  }
0x60: {  	_ =	shalt  }
0x61: {  	_ =	shalt  }
0x62: {  	_ =	shalt  }
0x63: {  	_ =	shalt  }
0x64: {  	_ =	shalt  }
0x65: {  	_ =	shalt  }
0x66: {  	_ =	shalt  }
0x67: {  	_ =	shalt  }
0x68: {  	_ =	shalt  }
0x69: {  	_ =	shalt  }
0x6a: {  	_ =	shalt  }
0x6b: {  	_ =	shalt  }
0x6c: {  	_ =	shalt  }
0x6d: {  	_ =	shalt  }
0x6e: {  	_ =	shalt  }
0x6f: {  	_ =	shalt  }
0x70: {  	_ =	shalt  }
0x71: {  	_ =	shalt  }
0x72: {  	_ =	shalt  }
0x73: {  	_ =	shalt  }
0x74: {  	_ =	shalt  }
0x75: {  	_ =	shalt  }
0x76: {  	_ =	shalt  }
0x77: {  	_ =	shalt  }
0x78: {  	_ =	shalt  }
0x79: {  	_ =	shalt  }
0x7a: {  	_ =	shalt  }
0x7b: {  	_ =	shalt  }
0x7c: {  	_ =	shalt  }
0x7d: {  	_ =	shalt  }
0x7e: {  	_ =	shalt  }
0x7f: {  	_ =	shalt  }
0x80: {  	_ =	shalt  }
0x81: {  	_ =	shalt  }
0x82: {  	_ =	shalt  }
0x83: {  	_ =	shalt  }
0x84: {  	_ =	shalt  }
0x85: {  	_ =	shalt  }
0x86: {  	_ =	shalt  }
0x87: {  	_ =	shalt  }
.Lfunc_end0:
.L_simem_size_0:
called_computation_lowered:
.L_overlay_start_0:
0x88: {  	s2 =	sld [smem:$0x3FD9]  }
0x89: {  	s3 =	sld [smem:$0x3FFE];
	_ =	sdelay $0x1  }
0x8a: {  	s1 =	srdreg.scid  }
0x8b: {  	s0 =	sand.u32 $0x1, s1  }
0x8c: {  	s14 =	sshll.u32 s0, $0xA;
	s2 =	sadd.s32 s3, s2  }
0x8d: {  	s2 =	sadd.s32 s2, s14  }
0x8e: {  	[smem:$0x3FC2] =	sst s2  }
0x8f: {  	_ = 	snop  }
0x90: {  	s2 =	sld [smem:$0x3FD0];
	_ =	sdelay $0x2  }
0x91: {  	s15 =	simm.s32 $0xA;
	s4 =	simm.s32 $0x10  }
0x92: {  	[smem:s4], [sflag:s15] =	dma.local [hbm:s2], $0x1  }
0x93: {  	_ =	swait.eq [sflag:s15], $0x1  }
0x94: {  	[sflag:s15] =	ssyncset.done $0x0  }
0x95: {  	[sflag:s15] =	ssyncadd.s32 $0xFFFFFFFF  }
0x96: {  	s16 =	sld [smem:$0x11];
	(tm) =	ssettm $0x1  }
0x97: {  	s17 =	sld [smem:$0x3FFB];
	_ =	sdelay $0x3  }
0x98: {  	_ =	strace s17  }
0x99: {  	s3 =	sld [smem:$0x3FFC];
	_ =	sdelay $0x3  }
0x9a: {  	_ =	strace s3  }
0x9b: {  	s3 =	sld [smem:$0x3FFD];
	_ =	sdelay $0x3  }
0x9c: {  	_ =	strace s3  }
0x9d: {  	_ =	strace $0x8FFFFFFF  }
0x9e: {  	s18 =	sld [smem:$0x3FDB];
	_ =	sdelay $0x1  }
0x9f: {  	s19 =	simm.s32 $_scs_section_size  }
0xa0: {  	s5 =	simm.s32 $_size__tile_overlayer_lowered;
	s6 =	simm.s32 $_tile_overlayer_lowered  }
0xa1: {  	s22 =	simm.s32 $0x1BFF;
	s21 =	sshll.u32 s6, $0x1;
	s3 =	sadd.s32 s19, s18  }
0xa2: {  	s7 =	simm.s32 $0x0;
	s20 =	sshll.u32 s5, $0x1;
	s5 =	sadd.s32 s21, s3  }
0xa3: {  	[timem:s7], [sflag:s22] =	dma.local [hbm:s5], s20  }
0xa4: {  	_ =	swait.ge [sflag:s22], s20  }
0xa5: {  	s4 =	ssub.s32 $0x0, s20;
	[sflag:s22] =	ssyncset.done $0x0  }
0xa6: {  	[sflag:s22] =	ssyncadd.s32 s4;
	_ =	sdelay $0x1  }
0xa7: {  	s23 =	simm.s32 $0x1B8B  }
0xa8: {  	_ =	swait.ge [sflag:s23], $0x1  }
0xa9: {  	[sflag:s23] =	ssyncset.done $0x0  }
0xaa: {  	s25 =	simm.s32 $0x1B8E;
	s24 =	sld [smem:$0x3FFE];
	[sflag:s23] =	ssyncadd.s32 $0xFFFFFFFF  }
0xab: {  	s26 =	simm.s32 $execute0_lowered;
	[smem:$0x3FD2] =	sst s25  }
0xac: {  	s5 =	sshll.u32 s26, $0x1;
	_ =	strace $0x80000046;
	[dreg:$0x1] =	wrdreg $0xFFFFFFFF  }
0xad: {  	s28 =	simm.s32 $_size_execute0_lowered;
	s3 =	sadd.s32 s3, s5;
	[dreg:$0x0] =	wrdreg $0x0  }
0xae: {  	s5 =	sshll.u32 s28, $0x1;
	[dreg:$0x2] =	wrdreg s3  }
0xaf: {  	[dreg:$0x3] =	wrdreg s5  }
0xb0: {  	[dreg:$0x4] =	wrdreg $0xC0  }
0xb1: {  	_ =	task [dreg:s7], $0x5FFFF  }
0xb2: {  	[dreg:$0x1] =	wrdreg $0xFFFFFFFF  }
0xb3: {  	[dreg:$0x0] =	wrdreg $0x60  }
0xb4: {  	[dreg:$0x2] =	wrdreg s24  }
0xb5: {  	[dreg:$0x3] =	wrdreg s16  }
0xb6: {  	[dreg:$0x4] =	wrdreg $0x9  }
0xb7: {  	_ =	task.clear_ibuf [dreg:s7], $0x5FFFF;
	_ =	strace $0x90000046  }
0xb8: {  	s29 =	simm.s32 $0x9;
	_ =	strace $0x80000048  }
0xb9: {  	_ =	swait.ge [sflag:s29], $0x1  }
0xba: {  	[sflag:s29] =	ssyncadd.s32 $0xFFFFFFFF  }
0xbb: {  	_ =	strace $0x90000048  }
0xbc: {  	_ =	sfence  }
0xbd: {  	s30 =	sld [smem:$0x0];
	_ =	sdelay $0x2  }
0xbe: {  	s31 =	sshll.u32 s1, $0xD;
	s1 =	sshrl.u32 s1, $0x2  }
0xbf: {  	s3 =	sand.u32 $0x4000, s31;
	s1 =	sadd.s32 s1, s30  }
0xc0: {  	s0 =	sor.u32 s3, s0;
	s1 =	sshll.u32 s1, $0x11  }
0xc1: {  	s0 =	sor.u32 s1, s0  }
0xc2: {  	s0 =	sadd.s32 $0x8F2B, s0  }
0xc3: {  	[sflag:s0] =	ssyncadd.remote.s32 $0x1  }
0xc4: {  	_ =	sfence.sel $0xFFFF  }
0xc5: {  	[dreg:$0x0] =	wrdreg $0xFFFFFFFF;
	(pc) =	sbr.abs _section_cstart, $3  }
0xc6: {  	[dreg:$0x1] =	wrdreg $0xFFFFFFFF  }
0xc7: {  	_ =	task.clear_ibuf [dreg:s7], $0x2FFFF;
	_ =	strace $0x9FFFFFFF  }
0xc8: {  	(tm) =	ssettm $0x7FFFFFFF  }
0xc9: {  	_ =	shalt  }
tec
execute0_lowered:
.L_overlay_start_1:
0x0: {  	(tag) =	ssettag $0x1  }
0x1: {  	s0 =	rddreg [dreg:$0x0]  }
0x2: {  	s1 =	rddreg [dreg:$0x1];
	s2 =	simm.s32 $0x0  }
0x3: {  	s3 =	srdreg.scid;
	s4 =	stileid.u32;
	s28 =	simm.s32 $0x3  }
0x4: {  	s29 =	simm.s32 $0x1C0;
	s30 =	simm.s32 $0x380;
	s31 =	simm.s32 $0x3B80  }
0x5: {  	[smem:$0x7FF] =	sst s2;
	s5 =	sand.u32 $0x1, s3;
	s4 =	sshll.u32 s4, $0x1  }
0x6: {  	s3 =	sadd.s32 $0x24DE00, s0;
	s21 =	sadd.s32 $0x36000, s0;
	s6 =	sor.u32 s5, s4  }
0x7: {  	_ =	strace $0x80000047;
	s5 =	ssub.s32 $0x2, s5;
	s7 =	smul.u32 $0xC40, s6  }
0x8: {  	s4 =	sadd.s32 $0x1E00, s0;
	s8 =	sshrl.u32 s5, $0x1;
	s15 =	smul.u32 $0x24C0, s6  }
0x9: {  	s0 =	sadd.s32 $0x32E00, s0;
	p0 =	seq.s32 s6, $0x1F;
	s5 =	ssub.s32 s5, s8  }
0xa: {  	s22 =	sshrl.u32 s7, $0x3;
	s17 =	sadd.s32 $0x1C0, s7;
	s7 =	sadd.s32 s1, s15  }
0xb: {  	s9 =	sadd.s32 s21, s22;
	s16 =	sadd.s32 s0, s22;
	s10 =	sshrl.u32 s17, $0x3  }
0xc: {  	s11 =	smul.u32 $0x3, s17;
	s12 =	sadd.s32 $0x70, s22;
	s19 =	sadd.s32 $0xA8, s22  }
0xd: {  	s13 =	sadd.s32 $0xA80, s7;
	s20 =	sadd.s32 $0xE0, s22;
	s23 =	sadd.s32 $0x118, s22  }
0xe: {  	s24 =	sadd.s32 $0x150, s22;
	s26 =	sadd.s32 $0x1F80, s7;
	[dreg:$0x3] =	wrdreg s9  }
0xf: {  	s22 =	simm.s32 $0x0;
	[dreg:$0x4] =	wrdreg s16;
	s18 =	sadd.s32 s21, s10  }
0x10: {  	s9 =	sadd.s32 s0, s10;
	s14 =	sadd.s32 s21, s19;
	s15 =	sadd.s32 s0, s19  }
0x11: {  	s16 =	sadd.s32 $0xFC0, s7;
	s17 =	sadd.s32 s21, s20;
	[dreg:$0x8] =	wrdreg s26  }
0x12: {  	s19 =	sadd.s32 s21, s23;
	s25 =	sadd.s32 s21, s24;
	[dreg:$0x5] =	wrdreg s18  }
.Ltmp0:
0x13: {  	s10 =	sadd.s32 s1, s11;
	s11 =	sadd.s32 s21, s12;
	(pc) =	sbr.rel .LBB2_1-.Ltmp0, $4  }
0x14: {  	s12 =	sadd.s32 s0, s12;
	s18 =	sadd.s32 s0, s20;
	s20 =	sadd.s32 s0, s23  }
0x15: {  	[dreg:$0x6] =	wrdreg s25;
	s0 =	sadd.s32 s0, s24;
	s23 =	sadd.s32 $0x1500, s7  }
0x16: {  	s24 =	sadd.s32 $0x1A40, s7;
	s25 =	smax.u32 s5, $0x1;
	s1 =	simm.s32 $0x2  }
0x17: {  	s21 =	simm.s32 $0x7380;
	[dreg:$0x7] =	wrdreg s0;
	s0 =	simm.s32 $0x1  }
.LBB2_16:
0x18: {  	v0 =	vadd.f32 v1, v0;
	_ =	sdelay $0x1  }
0x19: {  	s5 =	rddreg [dreg:$0x8];
	[tilespmem:s6+$0x5] =	vst v0  }
0x1a: {  	[hbm4b:s5+s2] =	stream.linear.scatter [tilespmem:s21], [sflag:$0x3], $0x2A00, $0x38;
	[tilespmem:$0x9D80] =	vst v63  }
0x1b: {  	_ =	swait.ge [sflag:s28], $0x2A00  }
0x1c: {  	[sflag:s28] =	ssyncset.done $0x0  }
0x1d: {  	[sflag:s28] =	ssyncadd.s32 $0xFFFFD600  }
.LBB2_17:
0x1e: {  	s22 =	sadd.s32 $0x1, s22  }
0x1f: {  	p1 =	sne.s32 s22, s25  }
.Ltmp1:
0x20: {  	_ = 	snop;
	(pc) =	sbr.rel @!p1 .LBB2_18-.Ltmp1, $1  }
0x21: {  	_ =	sdelay $0x3  }
.LBB2_1:
0x22: {  	s5 =	rddreg [dreg:$0x3]  }
0x23: {  	[tilespmem:s2], [sflag:$0x3] =	stream.linear.gather [hbm4b:s5+s2], $0x1C0, $0x38;
	[tilespmem:$0x9D80] =	vst v63  }
0x24: {  	_ =	swait.ge [sflag:s28], $0x1C0  }
0x25: {  	[sflag:s28] =	ssyncset.done $0x0  }
0x26: {  	s6 =	rddreg [dreg:$0x4];
	[sflag:s28] =	ssyncadd.s32 $0xFFFFFE40  }
0x27: {  	[tilespmem:s29], [sflag:$0x3] =	stream.linear.gather [hbm4b:s6+s2], $0x1C0, $0x38;
	[tilespmem:$0x9D80] =	vst v63  }
0x28: {  	_ =	swait.ge [sflag:s28], $0x1C0  }
0x29: {  	[sflag:s28] =	ssyncset.done $0x0  }
0x2a: {  	[sflag:s28] =	ssyncadd.s32 $0xFFFFFE40  }
0x2b: {  	[tilespmem:s30], [sflag:$0x1] =	stream.indirect.gather [hbm4b:s3+s29], $0x20, s2, s29, $0xb8;
	[tilespmem:$0x9D80] =	vst v63  }
0x2c: {  	_ = 	snop  }
0x2d: {  	[tilespmem:s31], [sflag:$0x2] =	stream.indirect.gather [hbm4b:s4+s29], $0x20, s29, s29, $0xb8;
	[tilespmem:$0x9D80] =	vst v63  }
0x2e: {  	_ =	swait.ge [sflag:s0], $0x3800  }
0x2f: {  	[sflag:s0] =	ssyncset.done $0x0  }
0x30: {  	[sflag:s0] =	ssyncadd.s32 $0xFFFFC800  }
0x31: {  	_ =	swait.ge [sflag:s1], $0x3800  }
0x32: {  	[sflag:s1] =	ssyncset.done $0x0  }
0x33: {  	s8 =	simm.s32 $0x0;
	[sflag:s1] =	ssyncadd.s32 $0xFFFFC800  }
0x34: {  	v0 =	vld [tilespmem:s8+$0x380]  }
0x35: {  	v1 =	vld [tilespmem:s8+$0x3B80];
	_ =	sdelay $0x4  }
0x36: {  	v0 =	vadd.f32 v1, v0;
	_ =	sdelay $0x1  }
0x37: {  	[tilespmem:s21+$0x0] =	vst v0  }
0x38: {  	v0 =	vld [tilespmem:s8+$0x385]  }
0x39: {  	s26 =	simm.s32 $0x80;
	s5 =	simm.s32 $0x7380;
	s6 =	simm.s32 $0x7380;
	v1 =	vld [tilespmem:s8+$0x3B85]  }
.LBB2_2:
0x3a: {  	_ =	sdelay $0x2  }
0x3b: {  	p1 =	sne.s32 s26, $0xDF80  }
0x3c: {  	s6 =	sadd.s32 $0x18, s6;
	s8 =	smov.u32 s26;
	s26 =	sadd.s32 $0x80, s26;
	v0 =	vadd.f32 v1, v0  }
0x3d: {  	_ = 	snop  }
0x3e: {  	s8 =	sshra.s32 s8, $0x2;
	[tilespmem:s5+$0x5] =	vst v0;
	s5 =	smov.u32 s6  }
0x3f: {  	v0 =	vld [tilespmem:s8+$0x380]  }
0x40: {  	v1 =	vld [tilespmem:s8+$0x3B80];
	_ =	sdelay $0x4  }
.Ltmp2:
0x41: {  	v0 =	vadd.f32 v1, v0;
	(pc) =	sbr.rel @p1 .LBB2_2-.Ltmp2, $4  }
0x42: {  	_ = 	snop  }
0x43: {  	[tilespmem:s6+$0x0] =	vst v0  }
0x44: {  	v0 =	vld [tilespmem:s8+$0x385]  }
0x45: {  	v1 =	vld [tilespmem:s8+$0x3B85]  }
0x46: {  	_ =	sdelay $0x3  }
0x47: {  	v0 =	vadd.f32 v1, v0;
	_ =	sdelay $0x1  }
0x48: {  	s8 =	simm.s32 $0x0;
	s26 =	simm.s32 $0x7380;
	[tilespmem:s5+$0x5] =	vst v0  }
0x49: {  	[hbm4b:s7+s8] =	stream.linear.scatter [tilespmem:s26], [sflag:$0x3], $0x2A00, $0x38;
	[tilespmem:$0x9D80] =	vst v63  }
0x4a: {  	_ =	swait.ge [sflag:s28], $0x2A00  }
0x4b: {  	[sflag:s28] =	ssyncset.done $0x0  }
0x4c: {  	s6 =	rddreg [dreg:$0x5];
	[sflag:s28] =	ssyncadd.s32 $0xFFFFD600  }
0x4d: {  	[tilespmem:s8], [sflag:$0x3] =	stream.linear.gather [hbm4b:s6+s8], $0x1C0, $0x38;
	[tilespmem:$0x9D80] =	vst v63  }
0x4e: {  	_ =	swait.ge [sflag:s28], $0x1C0  }
0x4f: {  	[sflag:s28] =	ssyncset.done $0x0  }
0x50: {  	[sflag:s28] =	ssyncadd.s32 $0xFFFFFE40  }
0x51: {  	[tilespmem:s29], [sflag:$0x3] =	stream.linear.gather [hbm4b:s9+s8], $0x1C0, $0x38;
	[tilespmem:$0x9D80] =	vst v63  }
0x52: {  	_ =	swait.ge [sflag:s28], $0x1C0  }
0x53: {  	[sflag:s28] =	ssyncset.done $0x0  }
0x54: {  	[sflag:s28] =	ssyncadd.s32 $0xFFFFFE40  }
0x55: {  	[tilespmem:s30], [sflag:$0x1] =	stream.indirect.gather [hbm4b:s3+s29], $0x20, s8, s29, $0xb8;
	[tilespmem:$0x9D80] =	vst v63  }
0x56: {  	_ = 	snop  }
0x57: {  	[tilespmem:s31], [sflag:$0x2] =	stream.indirect.gather [hbm4b:s4+s29], $0x20, s29, s29, $0xb8;
	[tilespmem:$0x9D80] =	vst v63  }
0x58: {  	_ =	swait.ge [sflag:s0], $0x3800  }
0x59: {  	[sflag:s0] =	ssyncset.done $0x0  }
0x5a: {  	[sflag:s0] =	ssyncadd.s32 $0xFFFFC800  }
0x5b: {  	_ =	swait.ge [sflag:s1], $0x3800  }
0x5c: {  	[sflag:s1] =	ssyncset.done $0x0  }
0x5d: {  	s8 =	simm.s32 $0x0;
	[sflag:s1] =	ssyncadd.s32 $0xFFFFC800  }
0x5e: {  	v0 =	vld [tilespmem:s8+$0x380]  }
0x5f: {  	v1 =	vld [tilespmem:s8+$0x3B80];
	_ =	sdelay $0x4  }
0x60: {  	v0 =	vadd.f32 v1, v0;
	_ =	sdelay $0x1  }
0x61: {  	[tilespmem:s26+$0x0] =	vst v0  }
0x62: {  	v0 =	vld [tilespmem:s8+$0x385]  }
0x63: {  	s5 =	simm.s32 $0x80;
	s6 =	simm.s32 $0x7380;
	v1 =	vld [tilespmem:s8+$0x3B85]  }
.LBB2_4:
0x64: {  	_ =	sdelay $0x2  }
0x65: {  	p1 =	sne.s32 s5, $0xDF80  }
0x66: {  	s26 =	sadd.s32 $0x18, s26;
	s8 =	smov.u32 s5;
	s5 =	sadd.s32 $0x80, s5;
	v0 =	vadd.f32 v1, v0  }
0x67: {  	_ = 	snop  }
0x68: {  	s8 =	sshra.s32 s8, $0x2;
	[tilespmem:s6+$0x5] =	vst v0;
	s6 =	smov.u32 s26  }
0x69: {  	v0 =	vld [tilespmem:s8+$0x380]  }
0x6a: {  	v1 =	vld [tilespmem:s8+$0x3B80];
	_ =	sdelay $0x4  }
.Ltmp3:
0x6b: {  	v0 =	vadd.f32 v1, v0;
	(pc) =	sbr.rel @p1 .LBB2_4-.Ltmp3, $4  }
0x6c: {  	_ = 	snop  }
0x6d: {  	[tilespmem:s26+$0x0] =	vst v0  }
0x6e: {  	v0 =	vld [tilespmem:s8+$0x385]  }
0x6f: {  	v1 =	vld [tilespmem:s8+$0x3B85]  }
0x70: {  	_ =	sdelay $0x3  }
0x71: {  	v0 =	vadd.f32 v1, v0;
	_ =	sdelay $0x1  }
0x72: {  	s5 =	simm.s32 $0x0;
	s26 =	simm.s32 $0x7380;
	[tilespmem:s6+$0x5] =	vst v0  }
0x73: {  	[hbm4b:s10+s5] =	stream.linear.scatter [tilespmem:s26], [sflag:$0x3], $0x2A00, $0x38;
	[tilespmem:$0x9D80] =	vst v63  }
0x74: {  	_ =	swait.ge [sflag:s28], $0x2A00  }
0x75: {  	[sflag:s28] =	ssyncset.done $0x0  }
0x76: {  	[sflag:s28] =	ssyncadd.s32 $0xFFFFD600  }
0x77: {  	[tilespmem:s5], [sflag:$0x3] =	stream.linear.gather [hbm4b:s11+s5], $0x1C0, $0x38;
	[tilespmem:$0x9D80] =	vst v63  }
0x78: {  	_ =	swait.ge [sflag:s28], $0x1C0  }
0x79: {  	[sflag:s28] =	ssyncset.done $0x0  }
0x7a: {  	[sflag:s28] =	ssyncadd.s32 $0xFFFFFE40  }
0x7b: {  	[tilespmem:s29], [sflag:$0x3] =	stream.linear.gather [hbm4b:s12+s5], $0x1C0, $0x38;
	[tilespmem:$0x9D80] =	vst v63  }
0x7c: {  	_ =	swait.ge [sflag:s28], $0x1C0  }
0x7d: {  	[sflag:s28] =	ssyncset.done $0x0  }
0x7e: {  	[sflag:s28] =	ssyncadd.s32 $0xFFFFFE40  }
0x7f: {  	[tilespmem:s30], [sflag:$0x1] =	stream.indirect.gather [hbm4b:s3+s29], $0x20, s5, s29, $0xb8;
	[tilespmem:$0x9D80] =	vst v63  }
0x80: {  	_ = 	snop  }
0x81: {  	[tilespmem:s31], [sflag:$0x2] =	stream.indirect.gather [hbm4b:s4+s29], $0x20, s29, s29, $0xb8;
	[tilespmem:$0x9D80] =	vst v63  }
0x82: {  	_ =	swait.ge [sflag:s0], $0x3800  }
0x83: {  	[sflag:s0] =	ssyncset.done $0x0  }
0x84: {  	[sflag:s0] =	ssyncadd.s32 $0xFFFFC800  }
0x85: {  	_ =	swait.ge [sflag:s1], $0x3800  }
0x86: {  	[sflag:s1] =	ssyncset.done $0x0  }
0x87: {  	s8 =	simm.s32 $0x0;
	[sflag:s1] =	ssyncadd.s32 $0xFFFFC800  }
0x88: {  	v0 =	vld [tilespmem:s8+$0x380]  }
0x89: {  	v1 =	vld [tilespmem:s8+$0x3B80];
	_ =	sdelay $0x4  }
0x8a: {  	v0 =	vadd.f32 v1, v0;
	_ =	sdelay $0x1  }
0x8b: {  	[tilespmem:s26+$0x0] =	vst v0  }
0x8c: {  	v0 =	vld [tilespmem:s8+$0x385]  }
0x8d: {  	s6 =	simm.s32 $0x7380;
	s5 =	simm.s32 $0x80;
	v1 =	vld [tilespmem:s8+$0x3B85]  }
.LBB2_6:
0x8e: {  	_ =	sdelay $0x2  }
0x8f: {  	p1 =	sne.s32 s5, $0xDF80  }
0x90: {  	s26 =	sadd.s32 $0x18, s26;
	s8 =	smov.u32 s5;
	s5 =	sadd.s32 $0x80, s5;
	v0 =	vadd.f32 v1, v0  }
0x91: {  	_ = 	snop  }
0x92: {  	s8 =	sshra.s32 s8, $0x2;
	[tilespmem:s6+$0x5] =	vst v0;
	s6 =	smov.u32 s26  }
0x93: {  	v0 =	vld [tilespmem:s8+$0x380]  }
0x94: {  	v1 =	vld [tilespmem:s8+$0x3B80];
	_ =	sdelay $0x4  }
.Ltmp4:
0x95: {  	v0 =	vadd.f32 v1, v0;
	(pc) =	sbr.rel @p1 .LBB2_6-.Ltmp4, $4  }
0x96: {  	_ = 	snop  }
0x97: {  	[tilespmem:s26+$0x0] =	vst v0  }
0x98: {  	v0 =	vld [tilespmem:s8+$0x385]  }
0x99: {  	v1 =	vld [tilespmem:s8+$0x3B85]  }
0x9a: {  	_ =	sdelay $0x3  }
0x9b: {  	v0 =	vadd.f32 v1, v0;
	_ =	sdelay $0x1  }
0x9c: {  	s5 =	simm.s32 $0x0;
	s26 =	simm.s32 $0x7380;
	[tilespmem:s6+$0x5] =	vst v0  }
0x9d: {  	[hbm4b:s13+s5] =	stream.linear.scatter [tilespmem:s26], [sflag:$0x3], $0x2A00, $0x38;
	[tilespmem:$0x9D80] =	vst v63  }
0x9e: {  	_ =	swait.ge [sflag:s28], $0x2A00  }
0x9f: {  	[sflag:s28] =	ssyncset.done $0x0  }
0xa0: {  	[sflag:s28] =	ssyncadd.s32 $0xFFFFD600  }
0xa1: {  	[tilespmem:s5], [sflag:$0x3] =	stream.linear.gather [hbm4b:s14+s5], $0x1C0, $0x38;
	[tilespmem:$0x9D80] =	vst v63  }
0xa2: {  	_ =	swait.ge [sflag:s28], $0x1C0  }
0xa3: {  	[sflag:s28] =	ssyncset.done $0x0  }
0xa4: {  	[sflag:s28] =	ssyncadd.s32 $0xFFFFFE40  }
0xa5: {  	[tilespmem:s29], [sflag:$0x3] =	stream.linear.gather [hbm4b:s15+s5], $0x1C0, $0x38;
	[tilespmem:$0x9D80] =	vst v63  }
0xa6: {  	_ =	swait.ge [sflag:s28], $0x1C0  }
0xa7: {  	[sflag:s28] =	ssyncset.done $0x0  }
0xa8: {  	[sflag:s28] =	ssyncadd.s32 $0xFFFFFE40  }
0xa9: {  	[tilespmem:s30], [sflag:$0x1] =	stream.indirect.gather [hbm4b:s3+s29], $0x20, s5, s29, $0xb8;
	[tilespmem:$0x9D80] =	vst v63  }
0xaa: {  	_ = 	snop  }
0xab: {  	[tilespmem:s31], [sflag:$0x2] =	stream.indirect.gather [hbm4b:s4+s29], $0x20, s29, s29, $0xb8;
	[tilespmem:$0x9D80] =	vst v63  }
0xac: {  	_ =	swait.ge [sflag:s0], $0x3800  }
0xad: {  	[sflag:s0] =	ssyncset.done $0x0  }
0xae: {  	[sflag:s0] =	ssyncadd.s32 $0xFFFFC800  }
0xaf: {  	_ =	swait.ge [sflag:s1], $0x3800  }
0xb0: {  	[sflag:s1] =	ssyncset.done $0x0  }
0xb1: {  	s8 =	simm.s32 $0x0;
	[sflag:s1] =	ssyncadd.s32 $0xFFFFC800  }
0xb2: {  	v0 =	vld [tilespmem:s8+$0x380]  }
0xb3: {  	v1 =	vld [tilespmem:s8+$0x3B80];
	_ =	sdelay $0x4  }
0xb4: {  	v0 =	vadd.f32 v1, v0;
	_ =	sdelay $0x1  }
0xb5: {  	[tilespmem:s26+$0x0] =	vst v0  }
0xb6: {  	v0 =	vld [tilespmem:s8+$0x385]  }
0xb7: {  	s6 =	simm.s32 $0x7380;
	s5 =	simm.s32 $0x80;
	v1 =	vld [tilespmem:s8+$0x3B85]  }
.LBB2_8:
0xb8: {  	_ =	sdelay $0x2  }
0xb9: {  	p1 =	sne.s32 s5, $0xDF80  }
0xba: {  	s26 =	sadd.s32 $0x18, s26;
	s8 =	smov.u32 s5;
	s5 =	sadd.s32 $0x80, s5;
	v0 =	vadd.f32 v1, v0  }
0xbb: {  	_ = 	snop  }
0xbc: {  	s8 =	sshra.s32 s8, $0x2;
	[tilespmem:s6+$0x5] =	vst v0;
	s6 =	smov.u32 s26  }
0xbd: {  	v0 =	vld [tilespmem:s8+$0x380]  }
0xbe: {  	v1 =	vld [tilespmem:s8+$0x3B80];
	_ =	sdelay $0x4  }
.Ltmp5:
0xbf: {  	v0 =	vadd.f32 v1, v0;
	(pc) =	sbr.rel @p1 .LBB2_8-.Ltmp5, $4  }
0xc0: {  	_ = 	snop  }
0xc1: {  	[tilespmem:s26+$0x0] =	vst v0  }
0xc2: {  	v0 =	vld [tilespmem:s8+$0x385]  }
0xc3: {  	v1 =	vld [tilespmem:s8+$0x3B85]  }
0xc4: {  	_ =	sdelay $0x3  }
0xc5: {  	v0 =	vadd.f32 v1, v0;
	_ =	sdelay $0x1  }
0xc6: {  	s5 =	simm.s32 $0x0;
	s26 =	simm.s32 $0x7380;
	[tilespmem:s6+$0x5] =	vst v0  }
0xc7: {  	[hbm4b:s16+s5] =	stream.linear.scatter [tilespmem:s26], [sflag:$0x3], $0x2A00, $0x38;
	[tilespmem:$0x9D80] =	vst v63  }
0xc8: {  	_ =	swait.ge [sflag:s28], $0x2A00  }
0xc9: {  	[sflag:s28] =	ssyncset.done $0x0  }
0xca: {  	[sflag:s28] =	ssyncadd.s32 $0xFFFFD600  }
0xcb: {  	[tilespmem:s5], [sflag:$0x3] =	stream.linear.gather [hbm4b:s17+s5], $0x1C0, $0x38;
	[tilespmem:$0x9D80] =	vst v63  }
0xcc: {  	_ =	swait.ge [sflag:s28], $0x1C0  }
0xcd: {  	[sflag:s28] =	ssyncset.done $0x0  }
0xce: {  	[sflag:s28] =	ssyncadd.s32 $0xFFFFFE40  }
0xcf: {  	[tilespmem:s29], [sflag:$0x3] =	stream.linear.gather [hbm4b:s18+s5], $0x1C0, $0x38;
	[tilespmem:$0x9D80] =	vst v63  }
0xd0: {  	_ =	swait.ge [sflag:s28], $0x1C0  }
0xd1: {  	[sflag:s28] =	ssyncset.done $0x0  }
0xd2: {  	[sflag:s28] =	ssyncadd.s32 $0xFFFFFE40  }
0xd3: {  	[tilespmem:s30], [sflag:$0x1] =	stream.indirect.gather [hbm4b:s3+s29], $0x20, s5, s29, $0xb8;
	[tilespmem:$0x9D80] =	vst v63  }
0xd4: {  	_ = 	snop  }
0xd5: {  	[tilespmem:s31], [sflag:$0x2] =	stream.indirect.gather [hbm4b:s4+s29], $0x20, s29, s29, $0xb8;
	[tilespmem:$0x9D80] =	vst v63  }
0xd6: {  	_ =	swait.ge [sflag:s0], $0x3800  }
0xd7: {  	[sflag:s0] =	ssyncset.done $0x0  }
0xd8: {  	[sflag:s0] =	ssyncadd.s32 $0xFFFFC800  }
0xd9: {  	_ =	swait.ge [sflag:s1], $0x3800  }
0xda: {  	[sflag:s1] =	ssyncset.done $0x0  }
0xdb: {  	s8 =	simm.s32 $0x0;
	[sflag:s1] =	ssyncadd.s32 $0xFFFFC800  }
0xdc: {  	v0 =	vld [tilespmem:s8+$0x380]  }
0xdd: {  	v1 =	vld [tilespmem:s8+$0x3B80];
	_ =	sdelay $0x4  }
0xde: {  	v0 =	vadd.f32 v1, v0;
	_ =	sdelay $0x1  }
0xdf: {  	[tilespmem:s26+$0x0] =	vst v0  }
0xe0: {  	v0 =	vld [tilespmem:s8+$0x385]  }
0xe1: {  	s6 =	simm.s32 $0x7380;
	s5 =	simm.s32 $0x80;
	v1 =	vld [tilespmem:s8+$0x3B85]  }
.LBB2_10:
0xe2: {  	_ =	sdelay $0x2  }
0xe3: {  	p1 =	sne.s32 s5, $0xDF80  }
0xe4: {  	s26 =	sadd.s32 $0x18, s26;
	s8 =	smov.u32 s5;
	s5 =	sadd.s32 $0x80, s5;
	v0 =	vadd.f32 v1, v0  }
0xe5: {  	_ = 	snop  }
0xe6: {  	s8 =	sshra.s32 s8, $0x2;
	[tilespmem:s6+$0x5] =	vst v0;
	s6 =	smov.u32 s26  }
0xe7: {  	v0 =	vld [tilespmem:s8+$0x380]  }
0xe8: {  	v1 =	vld [tilespmem:s8+$0x3B80];
	_ =	sdelay $0x4  }
.Ltmp6:
0xe9: {  	v0 =	vadd.f32 v1, v0;
	(pc) =	sbr.rel @p1 .LBB2_10-.Ltmp6, $4  }
0xea: {  	_ = 	snop  }
0xeb: {  	[tilespmem:s26+$0x0] =	vst v0  }
0xec: {  	v0 =	vld [tilespmem:s8+$0x385]  }
0xed: {  	v1 =	vld [tilespmem:s8+$0x3B85]  }
0xee: {  	_ =	sdelay $0x3  }
0xef: {  	v0 =	vadd.f32 v1, v0;
	_ =	sdelay $0x1  }
0xf0: {  	s5 =	simm.s32 $0x0;
	s26 =	simm.s32 $0x7380;
	[tilespmem:s6+$0x5] =	vst v0  }
0xf1: {  	[hbm4b:s23+s5] =	stream.linear.scatter [tilespmem:s26], [sflag:$0x3], $0x2A00, $0x38;
	[tilespmem:$0x9D80] =	vst v63  }
0xf2: {  	_ =	swait.ge [sflag:s28], $0x2A00  }
0xf3: {  	[sflag:s28] =	ssyncset.done $0x0  }
0xf4: {  	[sflag:s28] =	ssyncadd.s32 $0xFFFFD600  }
0xf5: {  	[tilespmem:s5], [sflag:$0x3] =	stream.linear.gather [hbm4b:s19+s5], $0x1C0, $0x38;
	[tilespmem:$0x9D80] =	vst v63  }
0xf6: {  	_ =	swait.ge [sflag:s28], $0x1C0  }
0xf7: {  	[sflag:s28] =	ssyncset.done $0x0  }
0xf8: {  	[sflag:s28] =	ssyncadd.s32 $0xFFFFFE40  }
0xf9: {  	[tilespmem:s29], [sflag:$0x3] =	stream.linear.gather [hbm4b:s20+s5], $0x1C0, $0x38;
	[tilespmem:$0x9D80] =	vst v63  }
0xfa: {  	_ =	swait.ge [sflag:s28], $0x1C0  }
0xfb: {  	[sflag:s28] =	ssyncset.done $0x0  }
0xfc: {  	[sflag:s28] =	ssyncadd.s32 $0xFFFFFE40  }
0xfd: {  	[tilespmem:s30], [sflag:$0x1] =	stream.indirect.gather [hbm4b:s3+s29], $0x20, s5, s29, $0xb8;
	[tilespmem:$0x9D80] =	vst v63  }
0xfe: {  	_ = 	snop  }
0xff: {  	[tilespmem:s31], [sflag:$0x2] =	stream.indirect.gather [hbm4b:s4+s29], $0x20, s29, s29, $0xb8;
	[tilespmem:$0x9D80] =	vst v63  }
0x100: {  	_ =	swait.ge [sflag:s0], $0x3800  }
0x101: {  	[sflag:s0] =	ssyncset.done $0x0  }
0x102: {  	[sflag:s0] =	ssyncadd.s32 $0xFFFFC800  }
0x103: {  	_ =	swait.ge [sflag:s1], $0x3800  }
0x104: {  	[sflag:s1] =	ssyncset.done $0x0  }
0x105: {  	s8 =	simm.s32 $0x0;
	[sflag:s1] =	ssyncadd.s32 $0xFFFFC800  }
0x106: {  	v0 =	vld [tilespmem:s8+$0x380]  }
0x107: {  	v1 =	vld [tilespmem:s8+$0x3B80];
	_ =	sdelay $0x4  }
0x108: {  	v0 =	vadd.f32 v1, v0;
	_ =	sdelay $0x1  }
0x109: {  	[tilespmem:s26+$0x0] =	vst v0  }
0x10a: {  	v0 =	vld [tilespmem:s8+$0x385]  }
0x10b: {  	s6 =	simm.s32 $0x7380;
	s5 =	simm.s32 $0x80;
	v1 =	vld [tilespmem:s8+$0x3B85]  }
.LBB2_12:
0x10c: {  	_ =	sdelay $0x2  }
0x10d: {  	p1 =	sne.s32 s5, $0xDF80  }
0x10e: {  	s26 =	sadd.s32 $0x18, s26;
	s8 =	smov.u32 s5;
	s5 =	sadd.s32 $0x80, s5;
	v0 =	vadd.f32 v1, v0  }
0x10f: {  	_ = 	snop  }
0x110: {  	s8 =	sshra.s32 s8, $0x2;
	[tilespmem:s6+$0x5] =	vst v0;
	s6 =	smov.u32 s26  }
0x111: {  	v0 =	vld [tilespmem:s8+$0x380]  }
0x112: {  	v1 =	vld [tilespmem:s8+$0x3B80];
	_ =	sdelay $0x4  }
.Ltmp7:
0x113: {  	v0 =	vadd.f32 v1, v0;
	(pc) =	sbr.rel @p1 .LBB2_12-.Ltmp7, $4  }
0x114: {  	_ = 	snop  }
0x115: {  	[tilespmem:s26+$0x0] =	vst v0  }
0x116: {  	v0 =	vld [tilespmem:s8+$0x385]  }
0x117: {  	v1 =	vld [tilespmem:s8+$0x3B85]  }
0x118: {  	_ =	sdelay $0x3  }
0x119: {  	v0 =	vadd.f32 v1, v0;
	_ =	sdelay $0x1  }
.Ltmp8:
0x11a: {  	[tilespmem:s6+$0x5] =	vst v0;
	(pc) =	sbr.rel @p0 .LBB2_17-.Ltmp8, $4  }
0x11b: {  	[hbm4b:s24+s2] =	stream.linear.scatter [tilespmem:s21], [sflag:$0x3], $0x2A00, $0x38;
	[tilespmem:$0x9D80] =	vst v63  }
0x11c: {  	_ =	swait.ge [sflag:s28], $0x2A00  }
0x11d: {  	[sflag:s28] =	ssyncset.done $0x0  }
0x11e: {  	[sflag:s28] =	ssyncadd.s32 $0xFFFFD600  }
0x11f: {  	s5 =	simm.s32 $0x0;
	s6 =	rddreg [dreg:$0x6]  }
0x120: {  	[tilespmem:s5], [sflag:$0x3] =	stream.linear.gather [hbm4b:s6+s5], $0x1C0, $0x38;
	[tilespmem:$0x9D80] =	vst v63  }
0x121: {  	_ =	swait.ge [sflag:s28], $0x1C0  }
0x122: {  	[sflag:s28] =	ssyncset.done $0x0  }
0x123: {  	s26 =	rddreg [dreg:$0x7];
	[sflag:s28] =	ssyncadd.s32 $0xFFFFFE40  }
0x124: {  	[tilespmem:s29], [sflag:$0x3] =	stream.linear.gather [hbm4b:s26+s5], $0x1C0, $0x38;
	[tilespmem:$0x9D80] =	vst v63  }
0x125: {  	_ =	swait.ge [sflag:s28], $0x1C0  }
0x126: {  	[sflag:s28] =	ssyncset.done $0x0  }
0x127: {  	[sflag:s28] =	ssyncadd.s32 $0xFFFFFE40  }
0x128: {  	[tilespmem:s30], [sflag:$0x1] =	stream.indirect.gather [hbm4b:s3+s29], $0x20, s5, s29, $0xb8;
	[tilespmem:$0x9D80] =	vst v63  }
0x129: {  	_ = 	snop  }
0x12a: {  	[tilespmem:s31], [sflag:$0x2] =	stream.indirect.gather [hbm4b:s4+s29], $0x20, s29, s29, $0xb8;
	[tilespmem:$0x9D80] =	vst v63  }
0x12b: {  	_ =	swait.ge [sflag:s0], $0x3800  }
0x12c: {  	[sflag:s0] =	ssyncset.done $0x0  }
0x12d: {  	[sflag:s0] =	ssyncadd.s32 $0xFFFFC800  }
0x12e: {  	_ =	swait.ge [sflag:s1], $0x3800  }
0x12f: {  	[sflag:s1] =	ssyncset.done $0x0  }
0x130: {  	s8 =	simm.s32 $0x0;
	[sflag:s1] =	ssyncadd.s32 $0xFFFFC800  }
0x131: {  	v0 =	vld [tilespmem:s8+$0x380]  }
0x132: {  	v1 =	vld [tilespmem:s8+$0x3B80];
	_ =	sdelay $0x4  }
0x133: {  	v0 =	vadd.f32 v1, v0  }
0x134: {  	s26 =	simm.s32 $0x7380  }
0x135: {  	[tilespmem:s26+$0x0] =	vst v0  }
0x136: {  	v0 =	vld [tilespmem:s8+$0x385]  }
0x137: {  	v1 =	vld [tilespmem:s8+$0x3B85];
	_ =	sdelay $0x2  }
0x138: {  	s6 =	simm.s32 $0x7380;
	s5 =	simm.s32 $0x80  }
.LBB2_15:
0x139: {  	p1 =	sne.s32 s5, $0xDF80  }
0x13a: {  	v0 =	vadd.f32 v1, v0;
	s26 =	sadd.s32 $0x18, s26;
	s8 =	smov.u32 s5;
	s5 =	sadd.s32 $0x80, s5  }
0x13b: {  	_ = 	snop  }
0x13c: {  	s8 =	sshra.s32 s8, $0x2;
	[tilespmem:s6+$0x5] =	vst v0;
	s6 =	smov.u32 s26  }
0x13d: {  	v0 =	vld [tilespmem:s8+$0x380]  }
0x13e: {  	v1 =	vld [tilespmem:s8+$0x3B80];
	_ =	sdelay $0x4  }
.Ltmp9:
0x13f: {  	v0 =	vadd.f32 v1, v0;
	(pc) =	sbr.rel @p1 .LBB2_15-.Ltmp9, $4  }
0x140: {  	_ = 	snop  }
0x141: {  	[tilespmem:s26+$0x0] =	vst v0  }
0x142: {  	v0 =	vld [tilespmem:s8+$0x385]  }
0x143: {  	v1 =	vld [tilespmem:s8+$0x3B85]  }
.Ltmp10:
0x144: {  	_ = 	snop;
	(pc) =	sbr.rel .LBB2_16-.Ltmp10, $1  }
0x145: {  	_ =	sdelay $0x3  }
.LBB2_18:
0x146: {  	_ =	sfence.sel $0x180000  }
0x147: {  	[bflag:$0x0] =	sbarrier.arrive $0xFFFF  }
0x148: {  	_ =	strace $0x90000047  }
0x149: {  	s0 =	stileid.u32;
	[bflag:$0x2] =	sbarrier.arrive $0xFFFF  }
0x14a: {  	p0 =	sne.s32 s0, $0x0;
	s0 =	rddreg [dreg:$0x2]  }
0x14b: {  	s0 =	sadd.s32 @!p0 $0x100000, s0  }
0x14c: {  	[sflag:s0] =	ssyncadd.tile.s32 @!p0 $0x1;
	_ =	shalt  }
.Lfunc_end2:
_tile_overlayer_lowered:
.L_overlay_start_2:
0x14d: {  	(tag) =	ssettag $0x2  }
0x14e: {  	s0 =	rddreg [dreg:$0x0];
	s2 =	stileid.u32  }
0x14f: {  	s1 =	rddreg [dreg:$0x1];
	p0 =	sne.s32 s2, $0x0  }
0x150: {  	s3 =	rddreg [dreg:$0x2];
	[bflag:$0x3] =	sbarrier.arrive $0xFFFF;
	s2 =	simm.s32 @!p0 $0x1C03  }
0x151: {  	[timem:s3], [sflag:s2] =	dma.local @!p0 [hbm:s0], s1  }
0x152: {  	s0 =	simm.s32 @!p0 $0x3  }
0x153: {  	_ =	swait.ge @!p0 [sflag:s0], s1  }
0x154: {  	s1 =	ssub.s32 @!p0 $0x0, s1;
	[sflag:s0] =	ssyncset.done @!p0 $0x0  }
0x155: {  	[sflag:s0] =	ssyncadd.s32 @!p0 s1  }
0x156: {  	[bflag:$0x3] =	sbarrier.arrive $0xFFFF  }
0x157: {  	_ =	shalt  }

</sc_bundles>
